<compile_context>
chip_gen: v7x
topology: tpu7x:2x2x1
jax: 0.10.2.dev20260603
libtpu: 0.0.44.dev20260713+nightly
codegen_flags: <defaults>
</compile_context>

<pallas_src>
import jax
import jax.numpy as jnp
from jax import lax
from jax.experimental import pallas as pl
from jax.experimental.pallas import tpu as pltpu
from jax.experimental.pallas import tpu_sc as plsc

NSTATE = 16
LANES = 16
NCORES = 2
NSUB = 16
NW = NCORES * NSUB
SEQ = 20
BATCH = 4096
BPW = BATCH // NW
DIM = NSTATE * NSTATE


def _fsa_body(xp_hbm, w_hbm, start_hbm, final_hbm, out_hbm,
              idx_v, rows_a, rows_b, state_v, out_v, start_v, final_v,
              idxred_v, shared_acc, sem_a, sem_b):
    sid = lax.axis_index("s")
    wid = sid * NCORES + lax.axis_index("c")
    base = wid * BPW

    def gather(t, rows, sem):
        pltpu.make_async_copy(w_hbm.at[idx_v.at[t]], rows, sem).start()

    def wait(rows, sem):
        pltpu.make_async_copy(w_hbm.at[idx_v.at[0]], rows, sem).wait()

    pltpu.sync_copy(xp_hbm.at[wid], idx_v)
    gather(SEQ - 1, rows_a, sem_a)

    pltpu.sync_copy(start_hbm, start_v)
    pltpu.sync_copy(final_hbm, final_v)

    @plsc.parallel_loop(0, BPW, unroll=2)
    def idxred_body(j):
        idxred_v[pl.ds(j * NSTATE, NSTATE)] = jnp.full(
            (NSTATE,), 0, jnp.int32) + j

    fvec = final_v[:]
    rstart = jnp.maximum(start_v[:], 0.0)

    @plsc.parallel_loop(0, BPW, unroll=2)
    def init_body(j):
        state_v[pl.ds(j * NSTATE, NSTATE)] = fvec

    def compute(rows):
        @plsc.parallel_loop(0, BPW, unroll=2)
        def body(j):
            u = state_v[pl.ds(j * NSTATE, NSTATE)]
            terms = [
                jnp.maximum(rows[j, pl.ds(i * LANES, LANES)], 0.0) * u[i]
                for i in range(NSTATE)
            ]
            while len(terms) > 1:
                terms = [terms[p] + terms[p + 1]
                         for p in range(0, len(terms), 2)]
            state_v[pl.ds(j * NSTATE, NSTATE)] = terms[0]

    def loop_body(k, carry):
        ta = SEQ - 1 - 2 * k
        wait(rows_a, sem_a)
        gather(ta - 1, rows_b, sem_b)
        compute(rows_a)
        wait(rows_b, sem_b)

        @pl.when(k < SEQ // 2 - 1)
        def _():
            gather(ta - 2, rows_a, sem_a)

        compute(rows_b)
        return carry
    lax.fori_loop(0, SEQ // 2, loop_body, 0)

    @plsc.parallel_loop(0, BPW, unroll=2)
    def scale_body(j):
        u = state_v[pl.ds(j * NSTATE, NSTATE)]
        state_v[pl.ds(j * NSTATE, NSTATE)] = u * rstart

    zeros16 = jnp.zeros((LANES,), jnp.float32)

    @plsc.parallel_loop(0, BPW // LANES, unroll=2)
    def zero_body(b):
        out_v[pl.ds(b * LANES, LANES)] = zeros16

    pltpu.sync_copy(out_v, shared_acc.at[sid])
    pltpu.sync_copy(state_v, shared_acc.at[sid].at[idxred_v], add=True)
    pltpu.sync_copy(shared_acc.at[sid], out_hbm.at[pl.ds(base, BPW)])


def kernel(x, weight, start_states, final_states):
    vocab = weight.shape[0]
    xp = (x.astype(jnp.int32) % vocab).reshape(NW, BPW, SEQ).transpose(0, 2, 1)
    run = pl.kernel(
        _fsa_body,
        out_type=jax.ShapeDtypeStruct((BATCH,), jnp.float32),
        mesh=plsc.VectorSubcoreMesh(core_axis_name="c", subcore_axis_name="s"),
        scratch_types=[
            pltpu.VMEM((SEQ, BPW), jnp.int32),
            pltpu.VMEM((BPW, DIM), jnp.float32),
            pltpu.VMEM((BPW, DIM), jnp.float32),
            pltpu.VMEM((BPW * NSTATE,), jnp.float32),
            pltpu.VMEM((BPW,), jnp.float32),
            pltpu.VMEM((NSTATE,), jnp.float32),
            pltpu.VMEM((NSTATE,), jnp.float32),
            pltpu.VMEM((BPW * NSTATE,), jnp.int32),
            pltpu.VMEM_SHARED((NSUB, BPW), jnp.float32),
            pltpu.SemaphoreType.DMA,
            pltpu.SemaphoreType.DMA,
        ],
    )
    return run(xp, weight, start_states, final_states)

# --- scband reference (transcript-rebuilt; emitter-appended) ---
"""Pipeline reference for scband-fsa-rnn-10582799417526 (READ-ONLY COPY).

The authoritative reference and input builder live on the scoring server;
editing this copy changes nothing except your own understanding.
"""

import jax, jax.numpy as jnp
import numpy as np

ALPHABET_SIZE = 100000
NUM_STATES = 16
BATCH = 4096
SEQ_LEN = 20


def setup_inputs(seed: int = 0) -> dict:
    key = jax.random.key(seed)
    k1, k2, k3, k4 = jax.random.split(key, 4)
    x = jax.random.randint(k1, (BATCH, SEQ_LEN), 0, ALPHABET_SIZE, dtype=jnp.int64 if jax.config.jax_enable_x64 else jnp.int32)
    x = x.astype(jnp.int32)
    weight = jax.random.normal(k2, (ALPHABET_SIZE, NUM_STATES * NUM_STATES), dtype=jnp.float32) * 0.1
    start_states = jax.random.normal(k3, (NUM_STATES,), dtype=jnp.float32)
    final_states = jax.random.normal(k4, (NUM_STATES,), dtype=jnp.float32)
    return {"x": x, "weight": weight, "start_states": start_states, "final_states": final_states}


def reference(x, weight, start_states, final_states):
    vocab_size = weight.shape[0]
    ns = start_states.shape[0]
    batch_size, string_length = x.shape
    # FSA_Embedding: concat identity-padding row, then lookup with input % vocab_size
    padding = jnp.eye(ns, dtype=weight.dtype).flatten()[None, :]
    table = jnp.concatenate((weight, padding), axis=0)
    # first hidden state: relu(start_states) broadcast to batch, shape (B, ns, 1)
    h = jax.nn.relu(jnp.broadcast_to(start_states[None, :], (batch_size, ns))[:, :, None])
    for token in range(string_length):
        idx = x[:, token] % vocab_size
        emb = jnp.take(table, idx, axis=0).reshape((batch_size, ns, ns))
        h = jax.nn.relu(emb) @ h
    final = jnp.broadcast_to(final_states[None, :], (batch_size, ns))[:, :, None]
    score = jnp.sum(h * final, axis=(1, 2))
    return score

if __name__ == "__main__":
    import jax
    _d = setup_inputs()
    print(jax.jit(kernel)(*tuple(_d.values())))

</pallas_src>

<mosaic_0001>
#map = affine_map<(d0, d1) -> (0, 0, 0)>
#map1 = affine_map<(d0, d1) -> (0, 0)>
#map2 = affine_map<(d0, d1) -> (0)>
module attributes {stable_mosaic.version = 14 : i64} {
  func.func @_fsa_body(%arg0: i32, %arg1: i32, %arg2: memref<32x20x128xi32, #tpu.memory_space<hbm>>, %arg3: memref<100000x256xf32, #tpu.memory_space<hbm>>, %arg4: memref<16xf32, #tpu.memory_space<hbm>>, %arg5: memref<16xf32, #tpu.memory_space<hbm>>, %arg6: memref<4096xf32, #tpu.memory_space<hbm>>, %arg7: memref<20x128xi32, #tpu.memory_space<vmem>>, %arg8: memref<128x256xf32, #tpu.memory_space<vmem>>, %arg9: memref<128x256xf32, #tpu.memory_space<vmem>>, %arg10: memref<2048xf32, #tpu.memory_space<vmem>>, %arg11: memref<128xf32, #tpu.memory_space<vmem>>, %arg12: memref<16xf32, #tpu.memory_space<vmem>>, %arg13: memref<16xf32, #tpu.memory_space<vmem>>, %arg14: memref<2048xi32, #tpu.memory_space<vmem>>, %arg15: memref<16x128xf32, #tpu.memory_space<vmem_shared>>, %arg16: memref<!tpu.dma_semaphore, #tpu.memory_space<semaphore_mem>>, %arg17: memref<!tpu.dma_semaphore, #tpu.memory_space<semaphore_mem>>) attributes {dimension_semantics = [#tpu.dimension_semantics<core_parallel>, #tpu.dimension_semantics<subcore_parallel>], iteration_bounds = array<i64: 2, 16>, scalar_prefetch = 0 : i64, scratch_operands = 11 : i64, tpu.core_type = #tpu.core_type<sc_vector_subcore>, window_params = [{transform_indices = #map}, {transform_indices = #map1}, {transform_indices = #map2}, {transform_indices = #map2}, {transform_indices = #map2}]} {
    %mul3A = arith.constant 2 : i32
    %mul3A_0 = arith.muli %arg1, %mul3A : i32
    %add3A = arith.addi %mul3A_0, %arg0 : i32
    %mul3A_1 = arith.constant 128 : i32
    %mul3A_2 = arith.muli %add3A, %mul3A_1 : i32
    "tpu.region"() ({
      %run_scoped3A = tpu.sem_alloc : memref<!tpu.dma_semaphore, #tpu.memory_space<semaphore_mem>>
      %dma_start3A_33 = arith.constant 0 : i32
      %dma_start3A_34 = arith.constant 0 : i32
      %dma_start3A_35 = tpu.memref_slice %arg2[%add3A, %dma_start3A_33, %dma_start3A_34] : memref<32x20x128xi32, #tpu.memory_space<hbm>> -> memref<1x20x128xi32, #tpu.memory_space<hbm>>
      %dma_start3A_36 = tpu.memref_squeeze %dma_start3A_35 : memref<1x20x128xi32, #tpu.memory_space<hbm>> -> memref<20x128xi32, #tpu.memory_space<hbm>>
      %dma_start3A_37 = arith.constant 0 : i32
      %dma_start3A_38 = arith.constant 0 : i32
      %dma_start3A_39 = tpu.memref_slice %arg2[%add3A, %dma_start3A_37, %dma_start3A_38] : memref<32x20x128xi32, #tpu.memory_space<hbm>> -> memref<1x20x128xi32, #tpu.memory_space<hbm>>
      %dma_start3A_40 = tpu.memref_squeeze %dma_start3A_39 : memref<1x20x128xi32, #tpu.memory_space<hbm>> -> memref<20x128xi32, #tpu.memory_space<hbm>>
      tpu.enqueue_dma source(%dma_start3A_40 : memref<20x128xi32, #tpu.memory_space<hbm>>) target(%arg7 : memref<20x128xi32, #tpu.memory_space<vmem>>) target_semaphore(%run_scoped3A : memref<!tpu.dma_semaphore, #tpu.memory_space<semaphore_mem>>)
      %dma_wait3A = arith.constant 0 : i32
      %dma_wait3A_41 = arith.constant 0 : i32
      %dma_wait3A_42 = tpu.memref_slice %arg2[%add3A, %dma_wait3A, %dma_wait3A_41] : memref<32x20x128xi32, #tpu.memory_space<hbm>> -> memref<1x20x128xi32, #tpu.memory_space<hbm>>
      %dma_wait3A_43 = tpu.memref_squeeze %dma_wait3A_42 : memref<1x20x128xi32, #tpu.memory_space<hbm>> -> memref<20x128xi32, #tpu.memory_space<hbm>>
      %dma_wait3A_44 = arith.constant 0 : i32
      %dma_wait3A_45 = arith.constant 0 : i32
      %dma_wait3A_46 = tpu.memref_slice %arg2[%add3A, %dma_wait3A_44, %dma_wait3A_45] : memref<32x20x128xi32, #tpu.memory_space<hbm>> -> memref<1x20x128xi32, #tpu.memory_space<hbm>>
      %dma_wait3A_47 = tpu.memref_squeeze %dma_wait3A_46 : memref<1x20x128xi32, #tpu.memory_space<hbm>> -> memref<20x128xi32, #tpu.memory_space<hbm>>
      tpu.wait_dma2 semaphore(%run_scoped3A : memref<!tpu.dma_semaphore, #tpu.memory_space<semaphore_mem>>) src(%dma_wait3A_47 : memref<20x128xi32, #tpu.memory_space<hbm>>) dst(%arg7 : memref<20x128xi32, #tpu.memory_space<vmem>>)
      tpu.yield
    }) : () -> ()
    %dma_start3A = arith.constant 19 : i32
    %dma_start3A_3 = arith.constant 0 : i32
    %dma_start3A_4 = tpu.memref_slice %arg7[%dma_start3A, %dma_start3A_3] : memref<20x128xi32, #tpu.memory_space<vmem>> -> memref<1x128xi32, #tpu.memory_space<vmem>>
    %dma_start3A_5 = tpu.memref_squeeze %dma_start3A_4 : memref<1x128xi32, #tpu.memory_space<vmem>> -> memref<128xi32, #tpu.memory_space<vmem>>
    %dma_start3A_6 = arith.constant 0 : i32
    %dma_start3A_7 = arith.constant 0 : i32
    %dma_start3A_8 = tpu.memref_slice %arg3[%dma_start3A_6, %dma_start3A_7] : memref<100000x256xf32, #tpu.memory_space<hbm>> -> memref<100000x256xf32, #tpu.memory_space<hbm>>
    tpu.enqueue_indirect_dma source(%dma_start3A_8 : memref<100000x256xf32, #tpu.memory_space<hbm>>) target(%arg8 : memref<128x256xf32, #tpu.memory_space<vmem>>) offsets(%dma_start3A_5 : memref<128xi32, #tpu.memory_space<vmem>>) semaphore(%arg16 : memref<!tpu.dma_semaphore, #tpu.memory_space<semaphore_mem>>)
    "tpu.region"() ({
      %run_scoped3A = tpu.sem_alloc : memref<!tpu.dma_semaphore, #tpu.memory_space<semaphore_mem>>
      tpu.enqueue_dma source(%arg4 : memref<16xf32, #tpu.memory_space<hbm>>) target(%arg12 : memref<16xf32, #tpu.memory_space<vmem>>) target_semaphore(%run_scoped3A : memref<!tpu.dma_semaphore, #tpu.memory_space<semaphore_mem>>)
      tpu.wait_dma2 semaphore(%run_scoped3A : memref<!tpu.dma_semaphore, #tpu.memory_space<semaphore_mem>>) src(%arg4 : memref<16xf32, #tpu.memory_space<hbm>>) dst(%arg12 : memref<16xf32, #tpu.memory_space<vmem>>)
      tpu.yield
    }) : () -> ()
    "tpu.region"() ({
      %run_scoped3A = tpu.sem_alloc : memref<!tpu.dma_semaphore, #tpu.memory_space<semaphore_mem>>
      tpu.enqueue_dma source(%arg5 : memref<16xf32, #tpu.memory_space<hbm>>) target(%arg13 : memref<16xf32, #tpu.memory_space<vmem>>) target_semaphore(%run_scoped3A : memref<!tpu.dma_semaphore, #tpu.memory_space<semaphore_mem>>)
      tpu.wait_dma2 semaphore(%run_scoped3A : memref<!tpu.dma_semaphore, #tpu.memory_space<semaphore_mem>>) src(%arg5 : memref<16xf32, #tpu.memory_space<hbm>>) dst(%arg13 : memref<16xf32, #tpu.memory_space<vmem>>)
      tpu.yield
    }) : () -> ()
    %parallel_loop3A = arith.constant 0 : i32
    %parallel_loop3A_9 = arith.constant 128 : i32
    %parallel_loop3A_10 = arith.constant 1 : i32
    scf.for %parallel_loop3A_33 = %parallel_loop3A to %parallel_loop3A_9 step %parallel_loop3A_10  : i32 {
      %parallel_loop3A_34 = arith.constant 0 : i32
      %parallel_loop3A_35 = vector.broadcast %parallel_loop3A_34 : i32 to vector<16xi32>
      %parallel_loop3A_36 = vector.broadcast %parallel_loop3A_33 : i32 to vector<16xi32>
      %parallel_loop3A_37 = arith.addi %parallel_loop3A_35, %parallel_loop3A_36 : vector<16xi32>
      %parallel_loop3A_38 = arith.constant 16 : i32
      %parallel_loop3A_39 = arith.muli %parallel_loop3A_33, %parallel_loop3A_38 : i32
      %parallel_loop3A_40 = arith.index_cast %parallel_loop3A_39 : i32 to index
      %parallel_loop3A_41 = tpu.vector_load %arg14[%parallel_loop3A_40] {strides = array<i32>} : memref<2048xi32, #tpu.memory_space<vmem>>, vector<16xi32>,
      %parallel_loop3A_42 = vector.shape_cast %parallel_loop3A_41 : vector<16xi32> to vector<16xi32>
      %parallel_loop3A_43 = vector.shape_cast %parallel_loop3A_37 : vector<16xi32> to vector<16xi32>
      tpu.vector_store %arg14[%parallel_loop3A_40], %parallel_loop3A_43 {strides = array<i32>} : memref<2048xi32, #tpu.memory_space<vmem>>, vector<16xi32>,
    } {sc.loop_unroll_factor = 2 : i64, sc.parallel_access}
    %get3A = arith.constant 0 : index
    %get3A_11 = tpu.vector_load %arg13[%get3A] {strides = array<i32>} : memref<16xf32, #tpu.memory_space<vmem>>, vector<16xf32>,
    %get3A_12 = vector.shape_cast %get3A_11 : vector<16xf32> to vector<16xf32>
    %get3A_13 = arith.constant 0 : index
    %get3A_14 = tpu.vector_load %arg12[%get3A_13] {strides = array<i32>} : memref<16xf32, #tpu.memory_space<vmem>>, vector<16xf32>,
    %get3A_15 = vector.shape_cast %get3A_14 : vector<16xf32> to vector<16xf32>
    %max3A = arith.constant 0.000000e+00 : f32
    %max3A_16 = vector.broadcast %max3A : f32 to vector<16xf32>
    %max3A_17 = arith.maximumf %get3A_15, %max3A_16 : vector<16xf32>
    %parallel_loop3A_18 = arith.constant 0 : i32
    %parallel_loop3A_19 = arith.constant 128 : i32
    %parallel_loop3A_20 = arith.constant 1 : i32
    scf.for %parallel_loop3A_33 = %parallel_loop3A_18 to %parallel_loop3A_19 step %parallel_loop3A_20  : i32 {
      %parallel_loop3A_34 = arith.constant 16 : i32
      %parallel_loop3A_35 = arith.muli %parallel_loop3A_33, %parallel_loop3A_34 : i32
      %parallel_loop3A_36 = arith.index_cast %parallel_loop3A_35 : i32 to index
      %parallel_loop3A_37 = tpu.vector_load %arg10[%parallel_loop3A_36] {strides = array<i32>} : memref<2048xf32, #tpu.memory_space<vmem>>, vector<16xf32>,
      %parallel_loop3A_38 = vector.shape_cast %parallel_loop3A_37 : vector<16xf32> to vector<16xf32>
      %parallel_loop3A_39 = vector.shape_cast %get3A_12 : vector<16xf32> to vector<16xf32>
      tpu.vector_store %arg10[%parallel_loop3A_36], %parallel_loop3A_39 {strides = array<i32>} : memref<2048xf32, #tpu.memory_space<vmem>>, vector<16xf32>,
    } {sc.loop_unroll_factor = 2 : i64, sc.parallel_access}
    %scan3A = arith.constant 0 : i32
    %scan3A_21 = arith.constant 0 : i32
    %scan3A_22 = arith.constant 10 : i32
    %scan3A_23 = arith.addi %scan3A_21, %scan3A_22 : i32
    %scan3A_24 = arith.constant 1 : i32
    scf.for %scan3A_33 = %scan3A_21 to %scan3A_23 step %scan3A_24  : i32 {
      %mul3A_34 = arith.constant 2 : i32
      %mul3A_35 = arith.muli %mul3A_34, %scan3A_33 : i32
      %sub3A = arith.constant 19 : i32
      %sub3A_36 = arith.subi %sub3A, %mul3A_35 : i32
      %dma_wait3A = arith.constant 0 : i32
      %dma_wait3A_37 = arith.constant 0 : i32
      %dma_wait3A_38 = tpu.memref_slice %arg7[%dma_wait3A, %dma_wait3A_37] : memref<20x128xi32, #tpu.memory_space<vmem>> -> memref<1x128xi32, #tpu.memory_space<vmem>>
      %dma_wait3A_39 = tpu.memref_squeeze %dma_wait3A_38 : memref<1x128xi32, #tpu.memory_space<vmem>> -> memref<128xi32, #tpu.memory_space<vmem>>
      %dma_wait3A_40 = arith.constant 0 : i32
      %dma_wait3A_41 = arith.constant 0 : i32
      %dma_wait3A_42 = tpu.memref_slice %arg3[%dma_wait3A_40, %dma_wait3A_41] : memref<100000x256xf32, #tpu.memory_space<hbm>> -> memref<100000x256xf32, #tpu.memory_space<hbm>>
      tpu.wait_indirect_dma semaphore(%arg16 : memref<!tpu.dma_semaphore, #tpu.memory_space<semaphore_mem>>) src(%dma_wait3A_42 : memref<100000x256xf32, #tpu.memory_space<hbm>>) dst(%arg8 : memref<128x256xf32, #tpu.memory_space<vmem>>)
      %sub3A_43 = arith.constant 1 : i32
      %sub3A_44 = arith.subi %sub3A_36, %sub3A_43 : i32
      %dma_start3A_45 = arith.constant 0 : i32
      %dma_start3A_46 = tpu.memref_slice %arg7[%sub3A_44, %dma_start3A_45] : memref<20x128xi32, #tpu.memory_space<vmem>> -> memref<1x128xi32, #tpu.memory_space<vmem>>
      %dma_start3A_47 = tpu.memref_squeeze %dma_start3A_46 : memref<1x128xi32, #tpu.memory_space<vmem>> -> memref<128xi32, #tpu.memory_space<vmem>>
      %dma_start3A_48 = arith.constant 0 : i32
      %dma_start3A_49 = arith.constant 0 : i32
      %dma_start3A_50 = tpu.memref_slice %arg3[%dma_start3A_48, %dma_start3A_49] : memref<100000x256xf32, #tpu.memory_space<hbm>> -> memref<100000x256xf32, #tpu.memory_space<hbm>>
      tpu.enqueue_indirect_dma source(%dma_start3A_50 : memref<100000x256xf32, #tpu.memory_space<hbm>>) target(%arg9 : memref<128x256xf32, #tpu.memory_space<vmem>>) offsets(%dma_start3A_47 : memref<128xi32, #tpu.memory_space<vmem>>) semaphore(%arg17 : memref<!tpu.dma_semaphore, #tpu.memory_space<semaphore_mem>>)
      %parallel_loop3A_51 = arith.constant 0 : i32
      %parallel_loop3A_52 = arith.constant 128 : i32
      %parallel_loop3A_53 = arith.constant 1 : i32
      scf.for %parallel_loop3A_66 = %parallel_loop3A_51 to %parallel_loop3A_52 step %parallel_loop3A_53  : i32 {
        %parallel_loop3A_67 = arith.constant 16 : i32
        %parallel_loop3A_68 = arith.muli %parallel_loop3A_66, %parallel_loop3A_67 : i32
        %parallel_loop3A_69 = arith.index_cast %parallel_loop3A_68 : i32 to index
        %parallel_loop3A_70 = tpu.vector_load %arg10[%parallel_loop3A_69] {strides = array<i32>} : memref<2048xf32, #tpu.memory_space<vmem>>, vector<16xf32>,
        %parallel_loop3A_71 = vector.shape_cast %parallel_loop3A_70 : vector<16xf32> to vector<16xf32>
        %parallel_loop3A_72 = arith.index_cast %parallel_loop3A_66 : i32 to index
        %parallel_loop3A_73 = arith.constant 0 : index
        %parallel_loop3A_74 = tpu.vector_load %arg8[%parallel_loop3A_72, %parallel_loop3A_73] {strides = array<i32>} : memref<128x256xf32, #tpu.memory_space<vmem>>, vector<1x16xf32>,
        %parallel_loop3A_75 = vector.shape_cast %parallel_loop3A_74 : vector<1x16xf32> to vector<16xf32>
        %parallel_loop3A_76 = arith.constant 0.000000e+00 : f32
        %parallel_loop3A_77 = vector.broadcast %parallel_loop3A_76 : f32 to vector<16xf32>
        %parallel_loop3A_78 = arith.maximumf %parallel_loop3A_75, %parallel_loop3A_77 : vector<16xf32>
        %parallel_loop3A_79 = vector.extract_strided_slice %parallel_loop3A_71 {offsets = [0], sizes = [1], strides = [1]} : vector<16xf32> to vector<1xf32>
        %parallel_loop3A_80 = vector.extract %parallel_loop3A_79[0] : f32 from vector<1xf32>
        %parallel_loop3A_81 = vector.broadcast %parallel_loop3A_80 : f32 to vector<16xf32>
        %parallel_loop3A_82 = arith.mulf %parallel_loop3A_78, %parallel_loop3A_81 : vector<16xf32>
        %parallel_loop3A_83 = arith.index_cast %parallel_loop3A_66 : i32 to index
        %parallel_loop3A_84 = arith.constant 16 : index
        %parallel_loop3A_85 = tpu.vector_load %arg8[%parallel_loop3A_83, %parallel_loop3A_84] {strides = array<i32>} : memref<128x256xf32, #tpu.memory_space<vmem>>, vector<1x16xf32>,
        %parallel_loop3A_86 = vector.shape_cast %parallel_loop3A_85 : vector<1x16xf32> to vector<16xf32>
        %parallel_loop3A_87 = arith.constant 0.000000e+00 : f32
        %parallel_loop3A_88 = vector.broadcast %parallel_loop3A_87 : f32 to vector<16xf32>
        %parallel_loop3A_89 = arith.maximumf %parallel_loop3A_86, %parallel_loop3A_88 : vector<16xf32>
        %parallel_loop3A_90 = vector.extract_strided_slice %parallel_loop3A_71 {offsets = [1], sizes = [1], strides = [1]} : vector<16xf32> to vector<1xf32>
        %parallel_loop3A_91 = vector.extract %parallel_loop3A_90[0] : f32 from vector<1xf32>
        %parallel_loop3A_92 = vector.broadcast %parallel_loop3A_91 : f32 to vector<16xf32>
        %parallel_loop3A_93 = arith.mulf %parallel_loop3A_89, %parallel_loop3A_92 : vector<16xf32>
        %parallel_loop3A_94 = arith.index_cast %parallel_loop3A_66 : i32 to index
        %parallel_loop3A_95 = arith.constant 32 : index
        %parallel_loop3A_96 = tpu.vector_load %arg8[%parallel_loop3A_94, %parallel_loop3A_95] {strides = array<i32>} : memref<128x256xf32, #tpu.memory_space<vmem>>, vector<1x16xf32>,
        %parallel_loop3A_97 = vector.shape_cast %parallel_loop3A_96 : vector<1x16xf32> to vector<16xf32>
        %parallel_loop3A_98 = arith.constant 0.000000e+00 : f32
        %parallel_loop3A_99 = vector.broadcast %parallel_loop3A_98 : f32 to vector<16xf32>
        %parallel_loop3A_100 = arith.maximumf %parallel_loop3A_97, %parallel_loop3A_99 : vector<16xf32>
        %parallel_loop3A_101 = vector.extract_strided_slice %parallel_loop3A_71 {offsets = [2], sizes = [1], strides = [1]} : vector<16xf32> to vector<1xf32>
        %parallel_loop3A_102 = vector.extract %parallel_loop3A_101[0] : f32 from vector<1xf32>
        %parallel_loop3A_103 = vector.broadcast %parallel_loop3A_102 : f32 to vector<16xf32>
        %parallel_loop3A_104 = arith.mulf %parallel_loop3A_100, %parallel_loop3A_103 : vector<16xf32>
        %parallel_loop3A_105 = arith.index_cast %parallel_loop3A_66 : i32 to index
        %parallel_loop3A_106 = arith.constant 48 : index
        %parallel_loop3A_107 = tpu.vector_load %arg8[%parallel_loop3A_105, %parallel_loop3A_106] {strides = array<i32>} : memref<128x256xf32, #tpu.memory_space<vmem>>, vector<1x16xf32>,
        %parallel_loop3A_108 = vector.shape_cast %parallel_loop3A_107 : vector<1x16xf32> to vector<16xf32>
        %parallel_loop3A_109 = arith.constant 0.000000e+00 : f32
        %parallel_loop3A_110 = vector.broadcast %parallel_loop3A_109 : f32 to vector<16xf32>
        %parallel_loop3A_111 = arith.maximumf %parallel_loop3A_108, %parallel_loop3A_110 : vector<16xf32>
        %parallel_loop3A_112 = vector.extract_strided_slice %parallel_loop3A_71 {offsets = [3], sizes = [1], strides = [1]} : vector<16xf32> to vector<1xf32>
        %parallel_loop3A_113 = vector.extract %parallel_loop3A_112[0] : f32 from vector<1xf32>
        %parallel_loop3A_114 = vector.broadcast %parallel_loop3A_113 : f32 to vector<16xf32>
        %parallel_loop3A_115 = arith.mulf %parallel_loop3A_111, %parallel_loop3A_114 : vector<16xf32>
        %parallel_loop3A_116 = arith.index_cast %parallel_loop3A_66 : i32 to index
        %parallel_loop3A_117 = arith.constant 64 : index
        %parallel_loop3A_118 = tpu.vector_load %arg8[%parallel_loop3A_116, %parallel_loop3A_117] {strides = array<i32>} : memref<128x256xf32, #tpu.memory_space<vmem>>, vector<1x16xf32>,
        %parallel_loop3A_119 = vector.shape_cast %parallel_loop3A_118 : vector<1x16xf32> to vector<16xf32>
        %parallel_loop3A_120 = arith.constant 0.000000e+00 : f32
        %parallel_loop3A_121 = vector.broadcast %parallel_loop3A_120 : f32 to vector<16xf32>
        %parallel_loop3A_122 = arith.maximumf %parallel_loop3A_119, %parallel_loop3A_121 : vector<16xf32>
        %parallel_loop3A_123 = vector.extract_strided_slice %parallel_loop3A_71 {offsets = [4], sizes = [1], strides = [1]} : vector<16xf32> to vector<1xf32>
        %parallel_loop3A_124 = vector.extract %parallel_loop3A_123[0] : f32 from vector<1xf32>
        %parallel_loop3A_125 = vector.broadcast %parallel_loop3A_124 : f32 to vector<16xf32>
        %parallel_loop3A_126 = arith.mulf %parallel_loop3A_122, %parallel_loop3A_125 : vector<16xf32>
        %parallel_loop3A_127 = arith.index_cast %parallel_loop3A_66 : i32 to index
        %parallel_loop3A_128 = arith.constant 80 : index
        %parallel_loop3A_129 = tpu.vector_load %arg8[%parallel_loop3A_127, %parallel_loop3A_128] {strides = array<i32>} : memref<128x256xf32, #tpu.memory_space<vmem>>, vector<1x16xf32>,
        %parallel_loop3A_130 = vector.shape_cast %parallel_loop3A_129 : vector<1x16xf32> to vector<16xf32>
        %parallel_loop3A_131 = arith.constant 0.000000e+00 : f32
        %parallel_loop3A_132 = vector.broadcast %parallel_loop3A_131 : f32 to vector<16xf32>
        %parallel_loop3A_133 = arith.maximumf %parallel_loop3A_130, %parallel_loop3A_132 : vector<16xf32>
        %parallel_loop3A_134 = vector.extract_strided_slice %parallel_loop3A_71 {offsets = [5], sizes = [1], strides = [1]} : vector<16xf32> to vector<1xf32>
        %parallel_loop3A_135 = vector.extract %parallel_loop3A_134[0] : f32 from vector<1xf32>
        %parallel_loop3A_136 = vector.broadcast %parallel_loop3A_135 : f32 to vector<16xf32>
        %parallel_loop3A_137 = arith.mulf %parallel_loop3A_133, %parallel_loop3A_136 : vector<16xf32>
        %parallel_loop3A_138 = arith.index_cast %parallel_loop3A_66 : i32 to index
        %parallel_loop3A_139 = arith.constant 96 : index
        %parallel_loop3A_140 = tpu.vector_load %arg8[%parallel_loop3A_138, %parallel_loop3A_139] {strides = array<i32>} : memref<128x256xf32, #tpu.memory_space<vmem>>, vector<1x16xf32>,
        %parallel_loop3A_141 = vector.shape_cast %parallel_loop3A_140 : vector<1x16xf32> to vector<16xf32>
        %parallel_loop3A_142 = arith.constant 0.000000e+00 : f32
        %parallel_loop3A_143 = vector.broadcast %parallel_loop3A_142 : f32 to vector<16xf32>
        %parallel_loop3A_144 = arith.maximumf %parallel_loop3A_141, %parallel_loop3A_143 : vector<16xf32>
        %parallel_loop3A_145 = vector.extract_strided_slice %parallel_loop3A_71 {offsets = [6], sizes = [1], strides = [1]} : vector<16xf32> to vector<1xf32>
        %parallel_loop3A_146 = vector.extract %parallel_loop3A_145[0] : f32 from vector<1xf32>
        %parallel_loop3A_147 = vector.broadcast %parallel_loop3A_146 : f32 to vector<16xf32>
        %parallel_loop3A_148 = arith.mulf %parallel_loop3A_144, %parallel_loop3A_147 : vector<16xf32>
        %parallel_loop3A_149 = arith.index_cast %parallel_loop3A_66 : i32 to index
        %parallel_loop3A_150 = arith.constant 112 : index
        %parallel_loop3A_151 = tpu.vector_load %arg8[%parallel_loop3A_149, %parallel_loop3A_150] {strides = array<i32>} : memref<128x256xf32, #tpu.memory_space<vmem>>, vector<1x16xf32>,
        %parallel_loop3A_152 = vector.shape_cast %parallel_loop3A_151 : vector<1x16xf32> to vector<16xf32>
        %parallel_loop3A_153 = arith.constant 0.000000e+00 : f32
        %parallel_loop3A_154 = vector.broadcast %parallel_loop3A_153 : f32 to vector<16xf32>
        %parallel_loop3A_155 = arith.maximumf %parallel_loop3A_152, %parallel_loop3A_154 : vector<16xf32>
        %parallel_loop3A_156 = vector.extract_strided_slice %parallel_loop3A_71 {offsets = [7], sizes = [1], strides = [1]} : vector<16xf32> to vector<1xf32>
        %parallel_loop3A_157 = vector.extract %parallel_loop3A_156[0] : f32 from vector<1xf32>
        %parallel_loop3A_158 = vector.broadcast %parallel_loop3A_157 : f32 to vector<16xf32>
        %parallel_loop3A_159 = arith.mulf %parallel_loop3A_155, %parallel_loop3A_158 : vector<16xf32>
        %parallel_loop3A_160 = arith.index_cast %parallel_loop3A_66 : i32 to index
        %parallel_loop3A_161 = arith.constant 128 : index
        %parallel_loop3A_162 = tpu.vector_load %arg8[%parallel_loop3A_160, %parallel_loop3A_161] {strides = array<i32>} : memref<128x256xf32, #tpu.memory_space<vmem>>, vector<1x16xf32>,
        %parallel_loop3A_163 = vector.shape_cast %parallel_loop3A_162 : vector<1x16xf32> to vector<16xf32>
        %parallel_loop3A_164 = arith.constant 0.000000e+00 : f32
        %parallel_loop3A_165 = vector.broadcast %parallel_loop3A_164 : f32 to vector<16xf32>
        %parallel_loop3A_166 = arith.maximumf %parallel_loop3A_163, %parallel_loop3A_165 : vector<16xf32>
        %parallel_loop3A_167 = vector.extract_strided_slice %parallel_loop3A_71 {offsets = [8], sizes = [1], strides = [1]} : vector<16xf32> to vector<1xf32>
        %parallel_loop3A_168 = vector.extract %parallel_loop3A_167[0] : f32 from vector<1xf32>
        %parallel_loop3A_169 = vector.broadcast %parallel_loop3A_168 : f32 to vector<16xf32>
        %parallel_loop3A_170 = arith.mulf %parallel_loop3A_166, %parallel_loop3A_169 : vector<16xf32>
        %parallel_loop3A_171 = arith.index_cast %parallel_loop3A_66 : i32 to index
        %parallel_loop3A_172 = arith.constant 144 : index
        %parallel_loop3A_173 = tpu.vector_load %arg8[%parallel_loop3A_171, %parallel_loop3A_172] {strides = array<i32>} : memref<128x256xf32, #tpu.memory_space<vmem>>, vector<1x16xf32>,
        %parallel_loop3A_174 = vector.shape_cast %parallel_loop3A_173 : vector<1x16xf32> to vector<16xf32>
        %parallel_loop3A_175 = arith.constant 0.000000e+00 : f32
        %parallel_loop3A_176 = vector.broadcast %parallel_loop3A_175 : f32 to vector<16xf32>
        %parallel_loop3A_177 = arith.maximumf %parallel_loop3A_174, %parallel_loop3A_176 : vector<16xf32>
        %parallel_loop3A_178 = vector.extract_strided_slice %parallel_loop3A_71 {offsets = [9], sizes = [1], strides = [1]} : vector<16xf32> to vector<1xf32>
        %parallel_loop3A_179 = vector.extract %parallel_loop3A_178[0] : f32 from vector<1xf32>
        %parallel_loop3A_180 = vector.broadcast %parallel_loop3A_179 : f32 to vector<16xf32>
        %parallel_loop3A_181 = arith.mulf %parallel_loop3A_177, %parallel_loop3A_180 : vector<16xf32>
        %parallel_loop3A_182 = arith.index_cast %parallel_loop3A_66 : i32 to index
        %parallel_loop3A_183 = arith.constant 160 : index
        %parallel_loop3A_184 = tpu.vector_load %arg8[%parallel_loop3A_182, %parallel_loop3A_183] {strides = array<i32>} : memref<128x256xf32, #tpu.memory_space<vmem>>, vector<1x16xf32>,
        %parallel_loop3A_185 = vector.shape_cast %parallel_loop3A_184 : vector<1x16xf32> to vector<16xf32>
        %parallel_loop3A_186 = arith.constant 0.000000e+00 : f32
        %parallel_loop3A_187 = vector.broadcast %parallel_loop3A_186 : f32 to vector<16xf32>
        %parallel_loop3A_188 = arith.maximumf %parallel_loop3A_185, %parallel_loop3A_187 : vector<16xf32>
        %parallel_loop3A_189 = vector.extract_strided_slice %parallel_loop3A_71 {offsets = [10], sizes = [1], strides = [1]} : vector<16xf32> to vector<1xf32>
        %parallel_loop3A_190 = vector.extract %parallel_loop3A_189[0] : f32 from vector<1xf32>
        %parallel_loop3A_191 = vector.broadcast %parallel_loop3A_190 : f32 to vector<16xf32>
        %parallel_loop3A_192 = arith.mulf %parallel_loop3A_188, %parallel_loop3A_191 : vector<16xf32>
        %parallel_loop3A_193 = arith.index_cast %parallel_loop3A_66 : i32 to index
        %parallel_loop3A_194 = arith.constant 176 : index
        %parallel_loop3A_195 = tpu.vector_load %arg8[%parallel_loop3A_193, %parallel_loop3A_194] {strides = array<i32>} : memref<128x256xf32, #tpu.memory_space<vmem>>, vector<1x16xf32>,
        %parallel_loop3A_196 = vector.shape_cast %parallel_loop3A_195 : vector<1x16xf32> to vector<16xf32>
        %parallel_loop3A_197 = arith.constant 0.000000e+00 : f32
        %parallel_loop3A_198 = vector.broadcast %parallel_loop3A_197 : f32 to vector<16xf32>
        %parallel_loop3A_199 = arith.maximumf %parallel_loop3A_196, %parallel_loop3A_198 : vector<16xf32>
        %parallel_loop3A_200 = vector.extract_strided_slice %parallel_loop3A_71 {offsets = [11], sizes = [1], strides = [1]} : vector<16xf32> to vector<1xf32>
        %parallel_loop3A_201 = vector.extract %parallel_loop3A_200[0] : f32 from vector<1xf32>
        %parallel_loop3A_202 = vector.broadcast %parallel_loop3A_201 : f32 to vector<16xf32>
        %parallel_loop3A_203 = arith.mulf %parallel_loop3A_199, %parallel_loop3A_202 : vector<16xf32>
        %parallel_loop3A_204 = arith.index_cast %parallel_loop3A_66 : i32 to index
        %parallel_loop3A_205 = arith.constant 192 : index
        %parallel_loop3A_206 = tpu.vector_load %arg8[%parallel_loop3A_204, %parallel_loop3A_205] {strides = array<i32>} : memref<128x256xf32, #tpu.memory_space<vmem>>, vector<1x16xf32>,
        %parallel_loop3A_207 = vector.shape_cast %parallel_loop3A_206 : vector<1x16xf32> to vector<16xf32>
        %parallel_loop3A_208 = arith.constant 0.000000e+00 : f32
        %parallel_loop3A_209 = vector.broadcast %parallel_loop3A_208 : f32 to vector<16xf32>
        %parallel_loop3A_210 = arith.maximumf %parallel_loop3A_207, %parallel_loop3A_209 : vector<16xf32>
        %parallel_loop3A_211 = vector.extract_strided_slice %parallel_loop3A_71 {offsets = [12], sizes = [1], strides = [1]} : vector<16xf32> to vector<1xf32>
        %parallel_loop3A_212 = vector.extract %parallel_loop3A_211[0] : f32 from vector<1xf32>
        %parallel_loop3A_213 = vector.broadcast %parallel_loop3A_212 : f32 to vector<16xf32>
        %parallel_loop3A_214 = arith.mulf %parallel_loop3A_210, %parallel_loop3A_213 : vector<16xf32>
        %parallel_loop3A_215 = arith.index_cast %parallel_loop3A_66 : i32 to index
        %parallel_loop3A_216 = arith.constant 208 : index
        %parallel_loop3A_217 = tpu.vector_load %arg8[%parallel_loop3A_215, %parallel_loop3A_216] {strides = array<i32>} : memref<128x256xf32, #tpu.memory_space<vmem>>, vector<1x16xf32>,
        %parallel_loop3A_218 = vector.shape_cast %parallel_loop3A_217 : vector<1x16xf32> to vector<16xf32>
        %parallel_loop3A_219 = arith.constant 0.000000e+00 : f32
        %parallel_loop3A_220 = vector.broadcast %parallel_loop3A_219 : f32 to vector<16xf32>
        %parallel_loop3A_221 = arith.maximumf %parallel_loop3A_218, %parallel_loop3A_220 : vector<16xf32>
        %parallel_loop3A_222 = vector.extract_strided_slice %parallel_loop3A_71 {offsets = [13], sizes = [1], strides = [1]} : vector<16xf32> to vector<1xf32>
        %parallel_loop3A_223 = vector.extract %parallel_loop3A_222[0] : f32 from vector<1xf32>
        %parallel_loop3A_224 = vector.broadcast %parallel_loop3A_223 : f32 to vector<16xf32>
        %parallel_loop3A_225 = arith.mulf %parallel_loop3A_221, %parallel_loop3A_224 : vector<16xf32>
        %parallel_loop3A_226 = arith.index_cast %parallel_loop3A_66 : i32 to index
        %parallel_loop3A_227 = arith.constant 224 : index
        %parallel_loop3A_228 = tpu.vector_load %arg8[%parallel_loop3A_226, %parallel_loop3A_227] {strides = array<i32>} : memref<128x256xf32, #tpu.memory_space<vmem>>, vector<1x16xf32>,
        %parallel_loop3A_229 = vector.shape_cast %parallel_loop3A_228 : vector<1x16xf32> to vector<16xf32>
        %parallel_loop3A_230 = arith.constant 0.000000e+00 : f32
        %parallel_loop3A_231 = vector.broadcast %parallel_loop3A_230 : f32 to vector<16xf32>
        %parallel_loop3A_232 = arith.maximumf %parallel_loop3A_229, %parallel_loop3A_231 : vector<16xf32>
        %parallel_loop3A_233 = vector.extract_strided_slice %parallel_loop3A_71 {offsets = [14], sizes = [1], strides = [1]} : vector<16xf32> to vector<1xf32>
        %parallel_loop3A_234 = vector.extract %parallel_loop3A_233[0] : f32 from vector<1xf32>
        %parallel_loop3A_235 = vector.broadcast %parallel_loop3A_234 : f32 to vector<16xf32>
        %parallel_loop3A_236 = arith.mulf %parallel_loop3A_232, %parallel_loop3A_235 : vector<16xf32>
        %parallel_loop3A_237 = arith.index_cast %parallel_loop3A_66 : i32 to index
        %parallel_loop3A_238 = arith.constant 240 : index
        %parallel_loop3A_239 = tpu.vector_load %arg8[%parallel_loop3A_237, %parallel_loop3A_238] {strides = array<i32>} : memref<128x256xf32, #tpu.memory_space<vmem>>, vector<1x16xf32>,
        %parallel_loop3A_240 = vector.shape_cast %parallel_loop3A_239 : vector<1x16xf32> to vector<16xf32>
        %parallel_loop3A_241 = arith.constant 0.000000e+00 : f32
        %parallel_loop3A_242 = vector.broadcast %parallel_loop3A_241 : f32 to vector<16xf32>
        %parallel_loop3A_243 = arith.maximumf %parallel_loop3A_240, %parallel_loop3A_242 : vector<16xf32>
        %parallel_loop3A_244 = vector.extract_strided_slice %parallel_loop3A_71 {offsets = [15], sizes = [1], strides = [1]} : vector<16xf32> to vector<1xf32>
        %parallel_loop3A_245 = vector.extract %parallel_loop3A_244[0] : f32 from vector<1xf32>
        %parallel_loop3A_246 = vector.broadcast %parallel_loop3A_245 : f32 to vector<16xf32>
        %parallel_loop3A_247 = arith.mulf %parallel_loop3A_243, %parallel_loop3A_246 : vector<16xf32>
        %parallel_loop3A_248 = arith.addf %parallel_loop3A_82, %parallel_loop3A_93 : vector<16xf32>
        %parallel_loop3A_249 = arith.addf %parallel_loop3A_104, %parallel_loop3A_115 : vector<16xf32>
        %parallel_loop3A_250 = arith.addf %parallel_loop3A_126, %parallel_loop3A_137 : vector<16xf32>
        %parallel_loop3A_251 = arith.addf %parallel_loop3A_148, %parallel_loop3A_159 : vector<16xf32>
        %parallel_loop3A_252 = arith.addf %parallel_loop3A_170, %parallel_loop3A_181 : vector<16xf32>
        %parallel_loop3A_253 = arith.addf %parallel_loop3A_192, %parallel_loop3A_203 : vector<16xf32>
        %parallel_loop3A_254 = arith.addf %parallel_loop3A_214, %parallel_loop3A_225 : vector<16xf32>
        %parallel_loop3A_255 = arith.addf %parallel_loop3A_236, %parallel_loop3A_247 : vector<16xf32>
        %parallel_loop3A_256 = arith.addf %parallel_loop3A_248, %parallel_loop3A_249 : vector<16xf32>
        %parallel_loop3A_257 = arith.addf %parallel_loop3A_250, %parallel_loop3A_251 : vector<16xf32>
        %parallel_loop3A_258 = arith.addf %parallel_loop3A_252, %parallel_loop3A_253 : vector<16xf32>
        %parallel_loop3A_259 = arith.addf %parallel_loop3A_254, %parallel_loop3A_255 : vector<16xf32>
        %parallel_loop3A_260 = arith.addf %parallel_loop3A_256, %parallel_loop3A_257 : vector<16xf32>
        %parallel_loop3A_261 = arith.addf %parallel_loop3A_258, %parallel_loop3A_259 : vector<16xf32>
        %parallel_loop3A_262 = arith.addf %parallel_loop3A_260, %parallel_loop3A_261 : vector<16xf32>
        %parallel_loop3A_263 = arith.constant 16 : i32
        %parallel_loop3A_264 = arith.muli %parallel_loop3A_66, %parallel_loop3A_263 : i32
        %parallel_loop3A_265 = arith.index_cast %parallel_loop3A_264 : i32 to index
        %parallel_loop3A_266 = tpu.vector_load %arg10[%parallel_loop3A_265] {strides = array<i32>} : memref<2048xf32, #tpu.memory_space<vmem>>, vector<16xf32>,
        %parallel_loop3A_267 = vector.shape_cast %parallel_loop3A_266 : vector<16xf32> to vector<16xf32>
        %parallel_loop3A_268 = vector.shape_cast %parallel_loop3A_262 : vector<16xf32> to vector<16xf32>
        tpu.vector_store %arg10[%parallel_loop3A_265], %parallel_loop3A_268 {strides = array<i32>} : memref<2048xf32, #tpu.memory_space<vmem>>, vector<16xf32>,
      } {sc.loop_unroll_factor = 2 : i64, sc.parallel_access}
      %dma_wait3A_54 = arith.constant 0 : i32
      %dma_wait3A_55 = arith.constant 0 : i32
      %dma_wait3A_56 = tpu.memref_slice %arg7[%dma_wait3A_54, %dma_wait3A_55] : memref<20x128xi32, #tpu.memory_space<vmem>> -> memref<1x128xi32, #tpu.memory_space<vmem>>
      %dma_wait3A_57 = tpu.memref_squeeze %dma_wait3A_56 : memref<1x128xi32, #tpu.memory_space<vmem>> -> memref<128xi32, #tpu.memory_space<vmem>>
      %dma_wait3A_58 = arith.constant 0 : i32
      %dma_wait3A_59 = arith.constant 0 : i32
      %dma_wait3A_60 = tpu.memref_slice %arg3[%dma_wait3A_58, %dma_wait3A_59] : memref<100000x256xf32, #tpu.memory_space<hbm>> -> memref<100000x256xf32, #tpu.memory_space<hbm>>
      tpu.wait_indirect_dma semaphore(%arg17 : memref<!tpu.dma_semaphore, #tpu.memory_space<semaphore_mem>>) src(%dma_wait3A_60 : memref<100000x256xf32, #tpu.memory_space<hbm>>) dst(%arg9 : memref<128x256xf32, #tpu.memory_space<vmem>>)
      %lt3A = arith.constant 9 : i32
      %lt3A_61 = arith.cmpi slt, %scan3A_33, %lt3A : i32
      %convert_element_type3A = arith.extui %lt3A_61 : i1 to i32
      %cond3A = arith.constant 0 : i32
      %cond3A_62 = arith.cmpi ne, %convert_element_type3A, %cond3A : i32
      scf.if %cond3A_62 {
        %sub3A_66 = arith.constant 2 : i32
        %sub3A_67 = arith.subi %sub3A_36, %sub3A_66 : i32
        %dma_start3A_68 = arith.constant 0 : i32
        %dma_start3A_69 = tpu.memref_slice %arg7[%sub3A_67, %dma_start3A_68] : memref<20x128xi32, #tpu.memory_space<vmem>> -> memref<1x128xi32, #tpu.memory_space<vmem>>
        %dma_start3A_70 = tpu.memref_squeeze %dma_start3A_69 : memref<1x128xi32, #tpu.memory_space<vmem>> -> memref<128xi32, #tpu.memory_space<vmem>>
        %dma_start3A_71 = arith.constant 0 : i32
        %dma_start3A_72 = arith.constant 0 : i32
        %dma_start3A_73 = tpu.memref_slice %arg3[%dma_start3A_71, %dma_start3A_72] : memref<100000x256xf32, #tpu.memory_space<hbm>> -> memref<100000x256xf32, #tpu.memory_space<hbm>>
        tpu.enqueue_indirect_dma source(%dma_start3A_73 : memref<100000x256xf32, #tpu.memory_space<hbm>>) target(%arg8 : memref<128x256xf32, #tpu.memory_space<vmem>>) offsets(%dma_start3A_70 : memref<128xi32, #tpu.memory_space<vmem>>) semaphore(%arg16 : memref<!tpu.dma_semaphore, #tpu.memory_space<semaphore_mem>>)
      } else {
      }
      %parallel_loop3A_63 = arith.constant 0 : i32
      %parallel_loop3A_64 = arith.constant 128 : i32
      %parallel_loop3A_65 = arith.constant 1 : i32
      scf.for %parallel_loop3A_66 = %parallel_loop3A_63 to %parallel_loop3A_64 step %parallel_loop3A_65  : i32 {
        %parallel_loop3A_67 = arith.constant 16 : i32
        %parallel_loop3A_68 = arith.muli %parallel_loop3A_66, %parallel_loop3A_67 : i32
        %parallel_loop3A_69 = arith.index_cast %parallel_loop3A_68 : i32 to index
        %parallel_loop3A_70 = tpu.vector_load %arg10[%parallel_loop3A_69] {strides = array<i32>} : memref<2048xf32, #tpu.memory_space<vmem>>, vector<16xf32>,
        %parallel_loop3A_71 = vector.shape_cast %parallel_loop3A_70 : vector<16xf32> to vector<16xf32>
        %parallel_loop3A_72 = arith.index_cast %parallel_loop3A_66 : i32 to index
        %parallel_loop3A_73 = arith.constant 0 : index
        %parallel_loop3A_74 = tpu.vector_load %arg9[%parallel_loop3A_72, %parallel_loop3A_73] {strides = array<i32>} : memref<128x256xf32, #tpu.memory_space<vmem>>, vector<1x16xf32>,
        %parallel_loop3A_75 = vector.shape_cast %parallel_loop3A_74 : vector<1x16xf32> to vector<16xf32>
        %parallel_loop3A_76 = arith.constant 0.000000e+00 : f32
        %parallel_loop3A_77 = vector.broadcast %parallel_loop3A_76 : f32 to vector<16xf32>
        %parallel_loop3A_78 = arith.maximumf %parallel_loop3A_75, %parallel_loop3A_77 : vector<16xf32>
        %parallel_loop3A_79 = vector.extract_strided_slice %parallel_loop3A_71 {offsets = [0], sizes = [1], strides = [1]} : vector<16xf32> to vector<1xf32>
        %parallel_loop3A_80 = vector.extract %parallel_loop3A_79[0] : f32 from vector<1xf32>
        %parallel_loop3A_81 = vector.broadcast %parallel_loop3A_80 : f32 to vector<16xf32>
        %parallel_loop3A_82 = arith.mulf %parallel_loop3A_78, %parallel_loop3A_81 : vector<16xf32>
        %parallel_loop3A_83 = arith.index_cast %parallel_loop3A_66 : i32 to index
        %parallel_loop3A_84 = arith.constant 16 : index
        %parallel_loop3A_85 = tpu.vector_load %arg9[%parallel_loop3A_83, %parallel_loop3A_84] {strides = array<i32>} : memref<128x256xf32, #tpu.memory_space<vmem>>, vector<1x16xf32>,
        %parallel_loop3A_86 = vector.shape_cast %parallel_loop3A_85 : vector<1x16xf32> to vector<16xf32>
        %parallel_loop3A_87 = arith.constant 0.000000e+00 : f32
        %parallel_loop3A_88 = vector.broadcast %parallel_loop3A_87 : f32 to vector<16xf32>
        %parallel_loop3A_89 = arith.maximumf %parallel_loop3A_86, %parallel_loop3A_88 : vector<16xf32>
        %parallel_loop3A_90 = vector.extract_strided_slice %parallel_loop3A_71 {offsets = [1], sizes = [1], strides = [1]} : vector<16xf32> to vector<1xf32>
        %parallel_loop3A_91 = vector.extract %parallel_loop3A_90[0] : f32 from vector<1xf32>
        %parallel_loop3A_92 = vector.broadcast %parallel_loop3A_91 : f32 to vector<16xf32>
        %parallel_loop3A_93 = arith.mulf %parallel_loop3A_89, %parallel_loop3A_92 : vector<16xf32>
        %parallel_loop3A_94 = arith.index_cast %parallel_loop3A_66 : i32 to index
        %parallel_loop3A_95 = arith.constant 32 : index
        %parallel_loop3A_96 = tpu.vector_load %arg9[%parallel_loop3A_94, %parallel_loop3A_95] {strides = array<i32>} : memref<128x256xf32, #tpu.memory_space<vmem>>, vector<1x16xf32>,
        %parallel_loop3A_97 = vector.shape_cast %parallel_loop3A_96 : vector<1x16xf32> to vector<16xf32>
        %parallel_loop3A_98 = arith.constant 0.000000e+00 : f32
        %parallel_loop3A_99 = vector.broadcast %parallel_loop3A_98 : f32 to vector<16xf32>
        %parallel_loop3A_100 = arith.maximumf %parallel_loop3A_97, %parallel_loop3A_99 : vector<16xf32>
        %parallel_loop3A_101 = vector.extract_strided_slice %parallel_loop3A_71 {offsets = [2], sizes = [1], strides = [1]} : vector<16xf32> to vector<1xf32>
        %parallel_loop3A_102 = vector.extract %parallel_loop3A_101[0] : f32 from vector<1xf32>
        %parallel_loop3A_103 = vector.broadcast %parallel_loop3A_102 : f32 to vector<16xf32>
        %parallel_loop3A_104 = arith.mulf %parallel_loop3A_100, %parallel_loop3A_103 : vector<16xf32>
        %parallel_loop3A_105 = arith.index_cast %parallel_loop3A_66 : i32 to index
        %parallel_loop3A_106 = arith.constant 48 : index
        %parallel_loop3A_107 = tpu.vector_load %arg9[%parallel_loop3A_105, %parallel_loop3A_106] {strides = array<i32>} : memref<128x256xf32, #tpu.memory_space<vmem>>, vector<1x16xf32>,
        %parallel_loop3A_108 = vector.shape_cast %parallel_loop3A_107 : vector<1x16xf32> to vector<16xf32>
        %parallel_loop3A_109 = arith.constant 0.000000e+00 : f32
        %parallel_loop3A_110 = vector.broadcast %parallel_loop3A_109 : f32 to vector<16xf32>
        %parallel_loop3A_111 = arith.maximumf %parallel_loop3A_108, %parallel_loop3A_110 : vector<16xf32>
        %parallel_loop3A_112 = vector.extract_strided_slice %parallel_loop3A_71 {offsets = [3], sizes = [1], strides = [1]} : vector<16xf32> to vector<1xf32>
        %parallel_loop3A_113 = vector.extract %parallel_loop3A_112[0] : f32 from vector<1xf32>
        %parallel_loop3A_114 = vector.broadcast %parallel_loop3A_113 : f32 to vector<16xf32>
        %parallel_loop3A_115 = arith.mulf %parallel_loop3A_111, %parallel_loop3A_114 : vector<16xf32>
        %parallel_loop3A_116 = arith.index_cast %parallel_loop3A_66 : i32 to index
        %parallel_loop3A_117 = arith.constant 64 : index
        %parallel_loop3A_118 = tpu.vector_load %arg9[%parallel_loop3A_116, %parallel_loop3A_117] {strides = array<i32>} : memref<128x256xf32, #tpu.memory_space<vmem>>, vector<1x16xf32>,
        %parallel_loop3A_119 = vector.shape_cast %parallel_loop3A_118 : vector<1x16xf32> to vector<16xf32>
        %parallel_loop3A_120 = arith.constant 0.000000e+00 : f32
        %parallel_loop3A_121 = vector.broadcast %parallel_loop3A_120 : f32 to vector<16xf32>
        %parallel_loop3A_122 = arith.maximumf %parallel_loop3A_119, %parallel_loop3A_121 : vector<16xf32>
        %parallel_loop3A_123 = vector.extract_strided_slice %parallel_loop3A_71 {offsets = [4], sizes = [1], strides = [1]} : vector<16xf32> to vector<1xf32>
        %parallel_loop3A_124 = vector.extract %parallel_loop3A_123[0] : f32 from vector<1xf32>
        %parallel_loop3A_125 = vector.broadcast %parallel_loop3A_124 : f32 to vector<16xf32>
        %parallel_loop3A_126 = arith.mulf %parallel_loop3A_122, %parallel_loop3A_125 : vector<16xf32>
        %parallel_loop3A_127 = arith.index_cast %parallel_loop3A_66 : i32 to index
        %parallel_loop3A_128 = arith.constant 80 : index
        %parallel_loop3A_129 = tpu.vector_load %arg9[%parallel_loop3A_127, %parallel_loop3A_128] {strides = array<i32>} : memref<128x256xf32, #tpu.memory_space<vmem>>, vector<1x16xf32>,
        %parallel_loop3A_130 = vector.shape_cast %parallel_loop3A_129 : vector<1x16xf32> to vector<16xf32>
        %parallel_loop3A_131 = arith.constant 0.000000e+00 : f32
        %parallel_loop3A_132 = vector.broadcast %parallel_loop3A_131 : f32 to vector<16xf32>
        %parallel_loop3A_133 = arith.maximumf %parallel_loop3A_130, %parallel_loop3A_132 : vector<16xf32>
        %parallel_loop3A_134 = vector.extract_strided_slice %parallel_loop3A_71 {offsets = [5], sizes = [1], strides = [1]} : vector<16xf32> to vector<1xf32>
        %parallel_loop3A_135 = vector.extract %parallel_loop3A_134[0] : f32 from vector<1xf32>
        %parallel_loop3A_136 = vector.broadcast %parallel_loop3A_135 : f32 to vector<16xf32>
        %parallel_loop3A_137 = arith.mulf %parallel_loop3A_133, %parallel_loop3A_136 : vector<16xf32>
        %parallel_loop3A_138 = arith.index_cast %parallel_loop3A_66 : i32 to index
        %parallel_loop3A_139 = arith.constant 96 : index
        %parallel_loop3A_140 = tpu.vector_load %arg9[%parallel_loop3A_138, %parallel_loop3A_139] {strides = array<i32>} : memref<128x256xf32, #tpu.memory_space<vmem>>, vector<1x16xf32>,
        %parallel_loop3A_141 = vector.shape_cast %parallel_loop3A_140 : vector<1x16xf32> to vector<16xf32>
        %parallel_loop3A_142 = arith.constant 0.000000e+00 : f32
        %parallel_loop3A_143 = vector.broadcast %parallel_loop3A_142 : f32 to vector<16xf32>
        %parallel_loop3A_144 = arith.maximumf %parallel_loop3A_141, %parallel_loop3A_143 : vector<16xf32>
        %parallel_loop3A_145 = vector.extract_strided_slice %parallel_loop3A_71 {offsets = [6], sizes = [1], strides = [1]} : vector<16xf32> to vector<1xf32>
        %parallel_loop3A_146 = vector.extract %parallel_loop3A_145[0] : f32 from vector<1xf32>
        %parallel_loop3A_147 = vector.broadcast %parallel_loop3A_146 : f32 to vector<16xf32>
        %parallel_loop3A_148 = arith.mulf %parallel_loop3A_144, %parallel_loop3A_147 : vector<16xf32>
        %parallel_loop3A_149 = arith.index_cast %parallel_loop3A_66 : i32 to index
        %parallel_loop3A_150 = arith.constant 112 : index
        %parallel_loop3A_151 = tpu.vector_load %arg9[%parallel_loop3A_149, %parallel_loop3A_150] {strides = array<i32>} : memref<128x256xf32, #tpu.memory_space<vmem>>, vector<1x16xf32>,
        %parallel_loop3A_152 = vector.shape_cast %parallel_loop3A_151 : vector<1x16xf32> to vector<16xf32>
        %parallel_loop3A_153 = arith.constant 0.000000e+00 : f32
        %parallel_loop3A_154 = vector.broadcast %parallel_loop3A_153 : f32 to vector<16xf32>
        %parallel_loop3A_155 = arith.maximumf %parallel_loop3A_152, %parallel_loop3A_154 : vector<16xf32>
        %parallel_loop3A_156 = vector.extract_strided_slice %parallel_loop3A_71 {offsets = [7], sizes = [1], strides = [1]} : vector<16xf32> to vector<1xf32>
        %parallel_loop3A_157 = vector.extract %parallel_loop3A_156[0] : f32 from vector<1xf32>
        %parallel_loop3A_158 = vector.broadcast %parallel_loop3A_157 : f32 to vector<16xf32>
        %parallel_loop3A_159 = arith.mulf %parallel_loop3A_155, %parallel_loop3A_158 : vector<16xf32>
        %parallel_loop3A_160 = arith.index_cast %parallel_loop3A_66 : i32 to index
        %parallel_loop3A_161 = arith.constant 128 : index
        %parallel_loop3A_162 = tpu.vector_load %arg9[%parallel_loop3A_160, %parallel_loop3A_161] {strides = array<i32>} : memref<128x256xf32, #tpu.memory_space<vmem>>, vector<1x16xf32>,
        %parallel_loop3A_163 = vector.shape_cast %parallel_loop3A_162 : vector<1x16xf32> to vector<16xf32>
        %parallel_loop3A_164 = arith.constant 0.000000e+00 : f32
        %parallel_loop3A_165 = vector.broadcast %parallel_loop3A_164 : f32 to vector<16xf32>
        %parallel_loop3A_166 = arith.maximumf %parallel_loop3A_163, %parallel_loop3A_165 : vector<16xf32>
        %parallel_loop3A_167 = vector.extract_strided_slice %parallel_loop3A_71 {offsets = [8], sizes = [1], strides = [1]} : vector<16xf32> to vector<1xf32>
        %parallel_loop3A_168 = vector.extract %parallel_loop3A_167[0] : f32 from vector<1xf32>
        %parallel_loop3A_169 = vector.broadcast %parallel_loop3A_168 : f32 to vector<16xf32>
        %parallel_loop3A_170 = arith.mulf %parallel_loop3A_166, %parallel_loop3A_169 : vector<16xf32>
        %parallel_loop3A_171 = arith.index_cast %parallel_loop3A_66 : i32 to index
        %parallel_loop3A_172 = arith.constant 144 : index
        %parallel_loop3A_173 = tpu.vector_load %arg9[%parallel_loop3A_171, %parallel_loop3A_172] {strides = array<i32>} : memref<128x256xf32, #tpu.memory_space<vmem>>, vector<1x16xf32>,
        %parallel_loop3A_174 = vector.shape_cast %parallel_loop3A_173 : vector<1x16xf32> to vector<16xf32>
        %parallel_loop3A_175 = arith.constant 0.000000e+00 : f32
        %parallel_loop3A_176 = vector.broadcast %parallel_loop3A_175 : f32 to vector<16xf32>
        %parallel_loop3A_177 = arith.maximumf %parallel_loop3A_174, %parallel_loop3A_176 : vector<16xf32>
        %parallel_loop3A_178 = vector.extract_strided_slice %parallel_loop3A_71 {offsets = [9], sizes = [1], strides = [1]} : vector<16xf32> to vector<1xf32>
        %parallel_loop3A_179 = vector.extract %parallel_loop3A_178[0] : f32 from vector<1xf32>
        %parallel_loop3A_180 = vector.broadcast %parallel_loop3A_179 : f32 to vector<16xf32>
        %parallel_loop3A_181 = arith.mulf %parallel_loop3A_177, %parallel_loop3A_180 : vector<16xf32>
        %parallel_loop3A_182 = arith.index_cast %parallel_loop3A_66 : i32 to index
        %parallel_loop3A_183 = arith.constant 160 : index
        %parallel_loop3A_184 = tpu.vector_load %arg9[%parallel_loop3A_182, %parallel_loop3A_183] {strides = array<i32>} : memref<128x256xf32, #tpu.memory_space<vmem>>, vector<1x16xf32>,
        %parallel_loop3A_185 = vector.shape_cast %parallel_loop3A_184 : vector<1x16xf32> to vector<16xf32>
        %parallel_loop3A_186 = arith.constant 0.000000e+00 : f32
        %parallel_loop3A_187 = vector.broadcast %parallel_loop3A_186 : f32 to vector<16xf32>
        %parallel_loop3A_188 = arith.maximumf %parallel_loop3A_185, %parallel_loop3A_187 : vector<16xf32>
        %parallel_loop3A_189 = vector.extract_strided_slice %parallel_loop3A_71 {offsets = [10], sizes = [1], strides = [1]} : vector<16xf32> to vector<1xf32>
        %parallel_loop3A_190 = vector.extract %parallel_loop3A_189[0] : f32 from vector<1xf32>
        %parallel_loop3A_191 = vector.broadcast %parallel_loop3A_190 : f32 to vector<16xf32>
        %parallel_loop3A_192 = arith.mulf %parallel_loop3A_188, %parallel_loop3A_191 : vector<16xf32>
        %parallel_loop3A_193 = arith.index_cast %parallel_loop3A_66 : i32 to index
        %parallel_loop3A_194 = arith.constant 176 : index
        %parallel_loop3A_195 = tpu.vector_load %arg9[%parallel_loop3A_193, %parallel_loop3A_194] {strides = array<i32>} : memref<128x256xf32, #tpu.memory_space<vmem>>, vector<1x16xf32>,
        %parallel_loop3A_196 = vector.shape_cast %parallel_loop3A_195 : vector<1x16xf32> to vector<16xf32>
        %parallel_loop3A_197 = arith.constant 0.000000e+00 : f32
        %parallel_loop3A_198 = vector.broadcast %parallel_loop3A_197 : f32 to vector<16xf32>
        %parallel_loop3A_199 = arith.maximumf %parallel_loop3A_196, %parallel_loop3A_198 : vector<16xf32>
        %parallel_loop3A_200 = vector.extract_strided_slice %parallel_loop3A_71 {offsets = [11], sizes = [1], strides = [1]} : vector<16xf32> to vector<1xf32>
        %parallel_loop3A_201 = vector.extract %parallel_loop3A_200[0] : f32 from vector<1xf32>
        %parallel_loop3A_202 = vector.broadcast %parallel_loop3A_201 : f32 to vector<16xf32>
        %parallel_loop3A_203 = arith.mulf %parallel_loop3A_199, %parallel_loop3A_202 : vector<16xf32>
        %parallel_loop3A_204 = arith.index_cast %parallel_loop3A_66 : i32 to index
        %parallel_loop3A_205 = arith.constant 192 : index
        %parallel_loop3A_206 = tpu.vector_load %arg9[%parallel_loop3A_204, %parallel_loop3A_205] {strides = array<i32>} : memref<128x256xf32, #tpu.memory_space<vmem>>, vector<1x16xf32>,
        %parallel_loop3A_207 = vector.shape_cast %parallel_loop3A_206 : vector<1x16xf32> to vector<16xf32>
        %parallel_loop3A_208 = arith.constant 0.000000e+00 : f32
        %parallel_loop3A_209 = vector.broadcast %parallel_loop3A_208 : f32 to vector<16xf32>
        %parallel_loop3A_210 = arith.maximumf %parallel_loop3A_207, %parallel_loop3A_209 : vector<16xf32>
        %parallel_loop3A_211 = vector.extract_strided_slice %parallel_loop3A_71 {offsets = [12], sizes = [1], strides = [1]} : vector<16xf32> to vector<1xf32>
        %parallel_loop3A_212 = vector.extract %parallel_loop3A_211[0] : f32 from vector<1xf32>
        %parallel_loop3A_213 = vector.broadcast %parallel_loop3A_212 : f32 to vector<16xf32>
        %parallel_loop3A_214 = arith.mulf %parallel_loop3A_210, %parallel_loop3A_213 : vector<16xf32>
        %parallel_loop3A_215 = arith.index_cast %parallel_loop3A_66 : i32 to index
        %parallel_loop3A_216 = arith.constant 208 : index
        %parallel_loop3A_217 = tpu.vector_load %arg9[%parallel_loop3A_215, %parallel_loop3A_216] {strides = array<i32>} : memref<128x256xf32, #tpu.memory_space<vmem>>, vector<1x16xf32>,
        %parallel_loop3A_218 = vector.shape_cast %parallel_loop3A_217 : vector<1x16xf32> to vector<16xf32>
        %parallel_loop3A_219 = arith.constant 0.000000e+00 : f32
        %parallel_loop3A_220 = vector.broadcast %parallel_loop3A_219 : f32 to vector<16xf32>
        %parallel_loop3A_221 = arith.maximumf %parallel_loop3A_218, %parallel_loop3A_220 : vector<16xf32>
        %parallel_loop3A_222 = vector.extract_strided_slice %parallel_loop3A_71 {offsets = [13], sizes = [1], strides = [1]} : vector<16xf32> to vector<1xf32>
        %parallel_loop3A_223 = vector.extract %parallel_loop3A_222[0] : f32 from vector<1xf32>
        %parallel_loop3A_224 = vector.broadcast %parallel_loop3A_223 : f32 to vector<16xf32>
        %parallel_loop3A_225 = arith.mulf %parallel_loop3A_221, %parallel_loop3A_224 : vector<16xf32>
        %parallel_loop3A_226 = arith.index_cast %parallel_loop3A_66 : i32 to index
        %parallel_loop3A_227 = arith.constant 224 : index
        %parallel_loop3A_228 = tpu.vector_load %arg9[%parallel_loop3A_226, %parallel_loop3A_227] {strides = array<i32>} : memref<128x256xf32, #tpu.memory_space<vmem>>, vector<1x16xf32>,
        %parallel_loop3A_229 = vector.shape_cast %parallel_loop3A_228 : vector<1x16xf32> to vector<16xf32>
        %parallel_loop3A_230 = arith.constant 0.000000e+00 : f32
        %parallel_loop3A_231 = vector.broadcast %parallel_loop3A_230 : f32 to vector<16xf32>
        %parallel_loop3A_232 = arith.maximumf %parallel_loop3A_229, %parallel_loop3A_231 : vector<16xf32>
        %parallel_loop3A_233 = vector.extract_strided_slice %parallel_loop3A_71 {offsets = [14], sizes = [1], strides = [1]} : vector<16xf32> to vector<1xf32>
        %parallel_loop3A_234 = vector.extract %parallel_loop3A_233[0] : f32 from vector<1xf32>
        %parallel_loop3A_235 = vector.broadcast %parallel_loop3A_234 : f32 to vector<16xf32>
        %parallel_loop3A_236 = arith.mulf %parallel_loop3A_232, %parallel_loop3A_235 : vector<16xf32>
        %parallel_loop3A_237 = arith.index_cast %parallel_loop3A_66 : i32 to index
        %parallel_loop3A_238 = arith.constant 240 : index
        %parallel_loop3A_239 = tpu.vector_load %arg9[%parallel_loop3A_237, %parallel_loop3A_238] {strides = array<i32>} : memref<128x256xf32, #tpu.memory_space<vmem>>, vector<1x16xf32>,
        %parallel_loop3A_240 = vector.shape_cast %parallel_loop3A_239 : vector<1x16xf32> to vector<16xf32>
        %parallel_loop3A_241 = arith.constant 0.000000e+00 : f32
        %parallel_loop3A_242 = vector.broadcast %parallel_loop3A_241 : f32 to vector<16xf32>
        %parallel_loop3A_243 = arith.maximumf %parallel_loop3A_240, %parallel_loop3A_242 : vector<16xf32>
        %parallel_loop3A_244 = vector.extract_strided_slice %parallel_loop3A_71 {offsets = [15], sizes = [1], strides = [1]} : vector<16xf32> to vector<1xf32>
        %parallel_loop3A_245 = vector.extract %parallel_loop3A_244[0] : f32 from vector<1xf32>
        %parallel_loop3A_246 = vector.broadcast %parallel_loop3A_245 : f32 to vector<16xf32>
        %parallel_loop3A_247 = arith.mulf %parallel_loop3A_243, %parallel_loop3A_246 : vector<16xf32>
        %parallel_loop3A_248 = arith.addf %parallel_loop3A_82, %parallel_loop3A_93 : vector<16xf32>
        %parallel_loop3A_249 = arith.addf %parallel_loop3A_104, %parallel_loop3A_115 : vector<16xf32>
        %parallel_loop3A_250 = arith.addf %parallel_loop3A_126, %parallel_loop3A_137 : vector<16xf32>
        %parallel_loop3A_251 = arith.addf %parallel_loop3A_148, %parallel_loop3A_159 : vector<16xf32>
        %parallel_loop3A_252 = arith.addf %parallel_loop3A_170, %parallel_loop3A_181 : vector<16xf32>
        %parallel_loop3A_253 = arith.addf %parallel_loop3A_192, %parallel_loop3A_203 : vector<16xf32>
        %parallel_loop3A_254 = arith.addf %parallel_loop3A_214, %parallel_loop3A_225 : vector<16xf32>
        %parallel_loop3A_255 = arith.addf %parallel_loop3A_236, %parallel_loop3A_247 : vector<16xf32>
        %parallel_loop3A_256 = arith.addf %parallel_loop3A_248, %parallel_loop3A_249 : vector<16xf32>
        %parallel_loop3A_257 = arith.addf %parallel_loop3A_250, %parallel_loop3A_251 : vector<16xf32>
        %parallel_loop3A_258 = arith.addf %parallel_loop3A_252, %parallel_loop3A_253 : vector<16xf32>
        %parallel_loop3A_259 = arith.addf %parallel_loop3A_254, %parallel_loop3A_255 : vector<16xf32>
        %parallel_loop3A_260 = arith.addf %parallel_loop3A_256, %parallel_loop3A_257 : vector<16xf32>
        %parallel_loop3A_261 = arith.addf %parallel_loop3A_258, %parallel_loop3A_259 : vector<16xf32>
        %parallel_loop3A_262 = arith.addf %parallel_loop3A_260, %parallel_loop3A_261 : vector<16xf32>
        %parallel_loop3A_263 = arith.constant 16 : i32
        %parallel_loop3A_264 = arith.muli %parallel_loop3A_66, %parallel_loop3A_263 : i32
        %parallel_loop3A_265 = arith.index_cast %parallel_loop3A_264 : i32 to index
        %parallel_loop3A_266 = tpu.vector_load %arg10[%parallel_loop3A_265] {strides = array<i32>} : memref<2048xf32, #tpu.memory_space<vmem>>, vector<16xf32>,
        %parallel_loop3A_267 = vector.shape_cast %parallel_loop3A_266 : vector<16xf32> to vector<16xf32>
        %parallel_loop3A_268 = vector.shape_cast %parallel_loop3A_262 : vector<16xf32> to vector<16xf32>
        tpu.vector_store %arg10[%parallel_loop3A_265], %parallel_loop3A_268 {strides = array<i32>} : memref<2048xf32, #tpu.memory_space<vmem>>, vector<16xf32>,
      } {sc.loop_unroll_factor = 2 : i64, sc.parallel_access}
    }
    %scan3A_25 = arith.constant 10 : i32
    %parallel_loop3A_26 = arith.constant 0 : i32
    %parallel_loop3A_27 = arith.constant 128 : i32
    %parallel_loop3A_28 = arith.constant 1 : i32
    scf.for %parallel_loop3A_33 = %parallel_loop3A_26 to %parallel_loop3A_27 step %parallel_loop3A_28  : i32 {
      %parallel_loop3A_34 = arith.constant 16 : i32
      %parallel_loop3A_35 = arith.muli %parallel_loop3A_33, %parallel_loop3A_34 : i32
      %parallel_loop3A_36 = arith.index_cast %parallel_loop3A_35 : i32 to index
      %parallel_loop3A_37 = tpu.vector_load %arg10[%parallel_loop3A_36] {strides = array<i32>} : memref<2048xf32, #tpu.memory_space<vmem>>, vector<16xf32>,
      %parallel_loop3A_38 = vector.shape_cast %parallel_loop3A_37 : vector<16xf32> to vector<16xf32>
      %parallel_loop3A_39 = arith.mulf %parallel_loop3A_38, %max3A_17 : vector<16xf32>
      %parallel_loop3A_40 = arith.constant 16 : i32
      %parallel_loop3A_41 = arith.muli %parallel_loop3A_33, %parallel_loop3A_40 : i32
      %parallel_loop3A_42 = arith.index_cast %parallel_loop3A_41 : i32 to index
      %parallel_loop3A_43 = tpu.vector_load %arg10[%parallel_loop3A_42] {strides = array<i32>} : memref<2048xf32, #tpu.memory_space<vmem>>, vector<16xf32>,
      %parallel_loop3A_44 = vector.shape_cast %parallel_loop3A_43 : vector<16xf32> to vector<16xf32>
      %parallel_loop3A_45 = vector.shape_cast %parallel_loop3A_39 : vector<16xf32> to vector<16xf32>
      tpu.vector_store %arg10[%parallel_loop3A_42], %parallel_loop3A_45 {strides = array<i32>} : memref<2048xf32, #tpu.memory_space<vmem>>, vector<16xf32>,
    } {sc.loop_unroll_factor = 2 : i64, sc.parallel_access}
    %broadcast_in_dim3A = arith.constant 0.000000e+00 : f32
    %broadcast_in_dim3A_29 = vector.broadcast %broadcast_in_dim3A : f32 to vector<16xf32>
    %parallel_loop3A_30 = arith.constant 0 : i32
    %parallel_loop3A_31 = arith.constant 8 : i32
    %parallel_loop3A_32 = arith.constant 1 : i32
    scf.for %parallel_loop3A_33 = %parallel_loop3A_30 to %parallel_loop3A_31 step %parallel_loop3A_32  : i32 {
      %parallel_loop3A_34 = arith.constant 16 : i32
      %parallel_loop3A_35 = arith.muli %parallel_loop3A_33, %parallel_loop3A_34 : i32
      %parallel_loop3A_36 = arith.index_cast %parallel_loop3A_35 : i32 to index
      %parallel_loop3A_37 = tpu.vector_load %arg11[%parallel_loop3A_36] {strides = array<i32>} : memref<128xf32, #tpu.memory_space<vmem>>, vector<16xf32>,
      %parallel_loop3A_38 = vector.shape_cast %parallel_loop3A_37 : vector<16xf32> to vector<16xf32>
      %parallel_loop3A_39 = vector.shape_cast %broadcast_in_dim3A_29 : vector<16xf32> to vector<16xf32>
      tpu.vector_store %arg11[%parallel_loop3A_36], %parallel_loop3A_39 {strides = array<i32>} : memref<128xf32, #tpu.memory_space<vmem>>, vector<16xf32>,
    } {sc.loop_unroll_factor = 2 : i64, sc.parallel_access}
    "tpu.region"() ({
      %run_scoped3A = tpu.sem_alloc : memref<!tpu.dma_semaphore, #tpu.memory_space<semaphore_mem>>
      %dma_start3A_33 = arith.constant 0 : i32
      %dma_start3A_34 = tpu.memref_slice %arg15[%arg1, %dma_start3A_33] : memref<16x128xf32, #tpu.memory_space<vmem_shared>> -> memref<1x128xf32, #tpu.memory_space<vmem_shared>>
      %dma_start3A_35 = tpu.memref_squeeze %dma_start3A_34 : memref<1x128xf32, #tpu.memory_space<vmem_shared>> -> memref<128xf32, #tpu.memory_space<vmem_shared>>
      %dma_start3A_36 = arith.constant 0 : i32
      %dma_start3A_37 = tpu.memref_slice %arg15[%arg1, %dma_start3A_36] : memref<16x128xf32, #tpu.memory_space<vmem_shared>> -> memref<1x128xf32, #tpu.memory_space<vmem_shared>>
      %dma_start3A_38 = tpu.memref_squeeze %dma_start3A_37 : memref<1x128xf32, #tpu.memory_space<vmem_shared>> -> memref<128xf32, #tpu.memory_space<vmem_shared>>
      tpu.enqueue_dma source(%arg11 : memref<128xf32, #tpu.memory_space<vmem>>) target(%dma_start3A_38 : memref<128xf32, #tpu.memory_space<vmem_shared>>) target_semaphore(%run_scoped3A : memref<!tpu.dma_semaphore, #tpu.memory_space<semaphore_mem>>)
      %dma_wait3A = arith.constant 0 : i32
      %dma_wait3A_39 = tpu.memref_slice %arg15[%arg1, %dma_wait3A] : memref<16x128xf32, #tpu.memory_space<vmem_shared>> -> memref<1x128xf32, #tpu.memory_space<vmem_shared>>
      %dma_wait3A_40 = tpu.memref_squeeze %dma_wait3A_39 : memref<1x128xf32, #tpu.memory_space<vmem_shared>> -> memref<128xf32, #tpu.memory_space<vmem_shared>>
      %dma_wait3A_41 = arith.constant 0 : i32
      %dma_wait3A_42 = tpu.memref_slice %arg15[%arg1, %dma_wait3A_41] : memref<16x128xf32, #tpu.memory_space<vmem_shared>> -> memref<1x128xf32, #tpu.memory_space<vmem_shared>>
      %dma_wait3A_43 = tpu.memref_squeeze %dma_wait3A_42 : memref<1x128xf32, #tpu.memory_space<vmem_shared>> -> memref<128xf32, #tpu.memory_space<vmem_shared>>
      tpu.wait_dma2 semaphore(%run_scoped3A : memref<!tpu.dma_semaphore, #tpu.memory_space<semaphore_mem>>) src(%arg11 : memref<128xf32, #tpu.memory_space<vmem>>) dst(%dma_wait3A_43 : memref<128xf32, #tpu.memory_space<vmem_shared>>)
      tpu.yield
    }) : () -> ()
    "tpu.region"() ({
      %run_scoped3A = tpu.sem_alloc : memref<!tpu.dma_semaphore, #tpu.memory_space<semaphore_mem>>
      %dma_start3A_33 = arith.constant 0 : i32
      %dma_start3A_34 = tpu.memref_slice %arg15[%arg1, %dma_start3A_33] : memref<16x128xf32, #tpu.memory_space<vmem_shared>> -> memref<1x128xf32, #tpu.memory_space<vmem_shared>>
      %dma_start3A_35 = tpu.memref_squeeze %dma_start3A_34 : memref<1x128xf32, #tpu.memory_space<vmem_shared>> -> memref<128xf32, #tpu.memory_space<vmem_shared>>
      %dma_start3A_36 = arith.constant 0 : i32
      %dma_start3A_37 = tpu.memref_slice %dma_start3A_35[%dma_start3A_36] : memref<128xf32, #tpu.memory_space<vmem_shared>> -> memref<128xf32, #tpu.memory_space<vmem_shared>>
      tpu.enqueue_indirect_dma source(%arg10 : memref<2048xf32, #tpu.memory_space<vmem>>) target(%dma_start3A_37 : memref<128xf32, #tpu.memory_space<vmem_shared>>) offsets(%arg14 : memref<2048xi32, #tpu.memory_space<vmem>>) semaphore(%run_scoped3A : memref<!tpu.dma_semaphore, #tpu.memory_space<semaphore_mem>>) {add = true}
      %dma_wait3A = arith.constant 0 : i32
      %dma_wait3A_38 = tpu.memref_slice %arg15[%arg1, %dma_wait3A] : memref<16x128xf32, #tpu.memory_space<vmem_shared>> -> memref<1x128xf32, #tpu.memory_space<vmem_shared>>
      %dma_wait3A_39 = tpu.memref_squeeze %dma_wait3A_38 : memref<1x128xf32, #tpu.memory_space<vmem_shared>> -> memref<128xf32, #tpu.memory_space<vmem_shared>>
      %dma_wait3A_40 = arith.constant 0 : i32
      %dma_wait3A_41 = tpu.memref_slice %dma_wait3A_39[%dma_wait3A_40] : memref<128xf32, #tpu.memory_space<vmem_shared>> -> memref<128xf32, #tpu.memory_space<vmem_shared>>
      tpu.wait_indirect_dma semaphore(%run_scoped3A : memref<!tpu.dma_semaphore, #tpu.memory_space<semaphore_mem>>) src(%arg10 : memref<2048xf32, #tpu.memory_space<vmem>>) dst(%dma_wait3A_41 : memref<128xf32, #tpu.memory_space<vmem_shared>>)
      tpu.yield
    }) : () -> ()
    "tpu.region"() ({
      %run_scoped3A = tpu.sem_alloc : memref<!tpu.dma_semaphore, #tpu.memory_space<semaphore_mem>>
      %dma_start3A_33 = tpu.memref_slice %arg6[%mul3A_2] : memref<4096xf32, #tpu.memory_space<hbm>> -> memref<128xf32, #tpu.memory_space<hbm>>
      %dma_start3A_34 = arith.constant 0 : i32
      %dma_start3A_35 = tpu.memref_slice %arg15[%arg1, %dma_start3A_34] : memref<16x128xf32, #tpu.memory_space<vmem_shared>> -> memref<1x128xf32, #tpu.memory_space<vmem_shared>>
      %dma_start3A_36 = tpu.memref_squeeze %dma_start3A_35 : memref<1x128xf32, #tpu.memory_space<vmem_shared>> -> memref<128xf32, #tpu.memory_space<vmem_shared>>
      tpu.enqueue_dma source(%dma_start3A_36 : memref<128xf32, #tpu.memory_space<vmem_shared>>) target(%dma_start3A_33 : memref<128xf32, #tpu.memory_space<hbm>>) target_semaphore(%run_scoped3A : memref<!tpu.dma_semaphore, #tpu.memory_space<semaphore_mem>>)
      %dma_wait3A = tpu.memref_slice %arg6[%mul3A_2] : memref<4096xf32, #tpu.memory_space<hbm>> -> memref<128xf32, #tpu.memory_space<hbm>>
      %dma_wait3A_37 = arith.constant 0 : i32
      %dma_wait3A_38 = tpu.memref_slice %arg15[%arg1, %dma_wait3A_37] : memref<16x128xf32, #tpu.memory_space<vmem_shared>> -> memref<1x128xf32, #tpu.memory_space<vmem_shared>>
      %dma_wait3A_39 = tpu.memref_squeeze %dma_wait3A_38 : memref<1x128xf32, #tpu.memory_space<vmem_shared>> -> memref<128xf32, #tpu.memory_space<vmem_shared>>
      tpu.wait_dma2 semaphore(%run_scoped3A : memref<!tpu.dma_semaphore, #tpu.memory_space<semaphore_mem>>) src(%dma_wait3A_39 : memref<128xf32, #tpu.memory_space<vmem_shared>>) dst(%dma_wait3A : memref<128xf32, #tpu.memory_space<hbm>>)
      tpu.yield
    }) : () -> ()
    return
  }
}

</mosaic_0001>

<sc_bundles>
// kernel: kernel.3.cloned.1.call-start
scs
__scs_entry_jumppad:
0x0: {  	(pc) =	sbr.rel $0x88, $3  }
0x1: {  	(tag) =	ssettag $0x0;
	lr =	simm.s32 $0x1  }
0x2: {  	[smem:$0x3F9D] =	sst lr;
	_ =	strace $0xD0000000  }
0x3: {  	_ = 	snop  }
0x4: {  	_ = 	snop  }
0x5: {  	_ = 	snop  }
0x6: {  	_ = 	snop  }
0x7: {  	_ = 	snop  }
__scs_overlays_trampoline_lowered:
0x8: {  	[smem:$0x3FAC] =	sst s0  }
0x9: {  	[smem:$0x3FAD] =	sst s1  }
0xa: {  	[smem:$0x3FAE] =	sst s2  }
0xb: {  	[smem:$0x3FAF] =	sst s3  }
0xc: {  	[smem:$0x3FB0] =	sst s4  }
0xd: {  	[smem:$0x3FB1] =	sst s5  }
0xe: {  	[smem:$0x3FB2] =	sst s6  }
0xf: {  	[smem:$0x3FB3] =	sst s7  }
0x10: {  	[smem:$0x3FB4] =	sst s8  }
0x11: {  	[smem:$0x3FB5] =	sst s9;
	s0 =	simm.s32 @!p0 $0x0  }
0x12: {  	s1 =	sld [smem:$0x3F9B];
	s0 =	simm.s32 @p0 $0x1  }
0x13: {  	[smem:$0x3FB6] =	sst s0;
	s0 =	simm.s32 @!p1 $0x0  }
0x14: {  	s2 =	sld [smem:$0x3F9A];
	s0 =	simm.s32 @p1 $0x1  }
0x15: {  	[smem:$0x3FB7] =	sst s0;
	s0 =	simm.s32 @!p2 $0x0  }
0x16: {  	s3 =	sld [smem:$0x3FDB];
	s0 =	simm.s32 @p2 $0x1  }
0x17: {  	s4 =	simm.s32 $0x1BF5;
	[smem:$0x3FB9] =	sst s0  }
0x18: {  	s0 =	sld [smem:$0x3F9C];
	_ =	swait.ge [sflag:s4], $0x0  }
0x19: {  	s7 =	sld [smem:$0x3F9D]  }
0x1a: {  	s8 =	sadd.s32 $0xFFFFE003, lr  }
0x1b: {  	s9 =	sadd.s32 $0xFFFFFEF7, lr;
	s5 =	simm.s32 $0xFFFFFFFF;
	p2 =	slt.u32 s8, $0xFFFFF086  }
0x1c: {  	p1 =	slt.u32 s9, $0xF7A;
	s5 =	simm.s32 @!p2 $0x0  }
0x1d: {  	s5 =	simm.s32 @p1 $0x1;
	p0 =	seq.s32 s7, s2  }
0x1e: {  	s7 =	smul.u32 @!p0 $0xF7A, s2;
	p2 =	seq.s32 @!p0 s5, $0x0  }
0x1f: {  	s9 =	smul.u32 $0xF7A, s1;
	s8 =	simm.s32 @!p0 $0x1BF5;
	p2 =	por !p2, p0  }
0x20: {  	[sflag:s8] =	ssyncset.s32 @!p0 $0xFFFFF086;
	s6 =	sadd.s32 @!p0 s3, s7;
	s7 =	simm.s32 @!p0 $0x108  }
0x21: {  	s3 =	sadd.s32 s3, s9;
	s6 =	sadd.s32 @!p0 $0x88, s6;
	s7 =	simm.s32 @p2 $0x1082  }
0x22: {  	[simem:s7], [sflag:s8] =	dma.local @!p0 [hbm:s6], $0xF7A  }
0x23: {  	s9 =	sor.u32 $0xD0000000, s2;
	s6 =	simm.s32 $0x108;
	_ =	swait.ge @!p0 [sflag:s8], $0x0  }
0x24: {  	s3 =	sadd.s32 $0x88, s3;
	s6 =	simm.s32 @!p1 $0x1082;
	[sflag:s4] =	ssyncset.s32 $0xFFFFF086  }
0x25: {  	[simem:s6], [sflag:s4] =	dma.local [hbm:s3], $0xF7A  }
0x26: {  	[smem:$0x3F9D] =	sst s1;
	(tag) =	ssettag s2;
	_ =	strace s9  }
0x27: {  	s1 =	sld [smem:$0x3FAD]  }
0x28: {  	s2 =	sld [smem:$0x3FAE]  }
0x29: {  	s4 =	sld [smem:$0x3FB0]  }
0x2a: {  	p0 =	seq.s32 s5, $0x0;
	s5 =	sld [smem:$0x3FB1]  }
0x2b: {  	s6 =	sld [smem:$0x3FB2]  }
0x2c: {  	s7 =	sld [smem:$0x3FB3]  }
0x2d: {  	s3 =	simm.s32 $0x108;
	s8 =	sld [smem:$0x3FB4]  }
0x2e: {  	s3 =	simm.s32 @!p0 $0x1082;
	s9 =	sld [smem:$0x3FB5]  }
0x2f: {  	lr =	sadd.s32 s0, s3;
	s0 =	sld [smem:$0x3FAC]  }
0x30: {  	s3 =	sld [smem:$0x3FAF]  }
0x31: {  	[smem:$0x3FB8] =	sst s10  }
0x32: {  	s10 =	sld [smem:$0x3FB6];
	_ =	sdelay $0x3  }
0x33: {  	p0 =	seq.s32 s10, $0x1;
	s10 =	sld [smem:$0x3FB8];
	_ =	sdelay $0x3  }
0x34: {  	[smem:$0x3FB8] =	sst s10  }
0x35: {  	s10 =	sld [smem:$0x3FB7];
	_ =	sdelay $0x3  }
0x36: {  	p1 =	seq.s32 s10, $0x1;
	s10 =	sld [smem:$0x3FB8];
	_ =	sdelay $0x3  }
0x37: {  	[smem:$0x3FB8] =	sst s10  }
0x38: {  	s10 =	sld [smem:$0x3FB9]  }
0x39: {  	_ = 	snop;
	(pc) =	sbr.ind lr, $3  }
0x3a: {  	_ = 	snop  }
0x3b: {  	_ = 	snop  }
0x3c: {  	p2 =	seq.s32 s10, $0x1;
	s10 =	sld [smem:$0x3FB8]  }
0x3d: {  	_ =	shalt  }
0x3e: {  	_ =	shalt  }
0x3f: {  	_ =	shalt  }
0x40: {  	_ =	shalt  }
0x41: {  	_ =	shalt  }
0x42: {  	_ =	shalt  }
0x43: {  	_ =	shalt  }
0x44: {  	_ =	shalt  }
0x45: {  	_ =	shalt  }
0x46: {  	_ =	shalt  }
0x47: {  	_ =	shalt  }
0x48: {  	_ =	shalt  }
0x49: {  	_ =	shalt  }
0x4a: {  	_ =	shalt  }
0x4b: {  	_ =	shalt  }
0x4c: {  	_ =	shalt  }
0x4d: {  	_ =	shalt  }
0x4e: {  	_ =	shalt  }
0x4f: {  	_ =	shalt  }
0x50: {  	_ =	shalt  }
0x51: {  	_ =	shalt  }
0x52: {  	_ =	shalt  }
0x53: {  	_ =	shalt  }
0x54: {  	_ =	shalt  }
0x55: {  	_ =	shalt  }
0x56: {  	_ =	shalt  }
0x57: {  	_ =	shalt  }
0x58: {  	_ =	shalt  }
0x59: {  	_ =	shalt  }
0x5a: {  	_ =	shalt  }
0x5b: {  	_ =	shalt  }
0x5c: {  	_ =	shalt  }
0x5d: {  	_ =	shalt  }
0x5e: {  	_ =	shalt  }
0x5f: {  	_ =	shalt  }
0x60: {  	_ =	shalt  }
0x61: {  	_ =	shalt  }
0x62: {  	_ =	shalt  }
0x63: {  	_ =	shalt  }
0x64: {  	_ =	shalt  }
0x65: {  	_ =	shalt  }
0x66: {  	_ =	shalt  }
0x67: {  	_ =	shalt  }
0x68: {  	_ =	shalt  }
0x69: {  	_ =	shalt  }
0x6a: {  	_ =	shalt  }
0x6b: {  	_ =	shalt  }
0x6c: {  	_ =	shalt  }
0x6d: {  	_ =	shalt  }
0x6e: {  	_ =	shalt  }
0x6f: {  	_ =	shalt  }
0x70: {  	_ =	shalt  }
0x71: {  	_ =	shalt  }
0x72: {  	_ =	shalt  }
0x73: {  	_ =	shalt  }
0x74: {  	_ =	shalt  }
0x75: {  	_ =	shalt  }
0x76: {  	_ =	shalt  }
0x77: {  	_ =	shalt  }
0x78: {  	_ =	shalt  }
0x79: {  	_ =	shalt  }
0x7a: {  	_ =	shalt  }
0x7b: {  	_ =	shalt  }
0x7c: {  	_ =	shalt  }
0x7d: {  	_ =	shalt  }
0x7e: {  	_ =	shalt  }
0x7f: {  	_ =	shalt  }
0x80: {  	_ =	shalt  }
0x81: {  	_ =	shalt  }
0x82: {  	_ =	shalt  }
0x83: {  	_ =	shalt  }
0x84: {  	_ =	shalt  }
0x85: {  	_ =	shalt  }
0x86: {  	_ =	shalt  }
0x87: {  	_ =	shalt  }
.Lfunc_end0:
.L_simem_size_0:
called_computation_lowered:
.L_overlay_start_0:
0x88: {  	s2 =	sld [smem:$0x3FD9]  }
0x89: {  	s3 =	sld [smem:$0x3FFE];
	_ =	sdelay $0x1  }
0x8a: {  	s1 =	srdreg.scid  }
0x8b: {  	s0 =	sand.u32 $0x1, s1  }
0x8c: {  	s17 =	sshll.u32 s0, $0xA;
	s2 =	sadd.s32 s3, s2  }
0x8d: {  	s2 =	sadd.s32 s2, s17  }
0x8e: {  	[smem:$0x3FC4] =	sst s2  }
0x8f: {  	_ = 	snop  }
0x90: {  	s2 =	sld [smem:$0x3FC8]  }
0x91: {  	s18 =	sld [smem:$0x3FC7]  }
0x92: {  	s4 =	sld [smem:$0x3FC6]  }
0x93: {  	s5 =	sld [smem:$0x3FD0];
	(tm) =	ssettm $0x1  }
0x94: {  	s6 =	sld [smem:$0x3FFB];
	_ =	sdelay $0x3  }
0x95: {  	_ =	strace s6  }
0x96: {  	s6 =	sld [smem:$0x3FFC];
	_ =	sdelay $0x3  }
0x97: {  	_ =	strace s6  }
0x98: {  	s6 =	sld [smem:$0x3FFD];
	_ =	sdelay $0x3  }
0x99: {  	_ =	strace s6  }
0x9a: {  	_ =	strace $0x8FFFFFFF  }
0x9b: {  	s19 =	sld [smem:$0x3FDB];
	_ =	sdelay $0x1  }
0x9c: {  	s7 =	simm.s32 $_scs_section_size  }
0x9d: {  	s8 =	simm.s32 $_size__tile_overlayer_lowered;
	s9 =	simm.s32 $_tile_overlayer_lowered  }
0x9e: {  	s22 =	simm.s32 $0x1BFF;
	s21 =	sshll.u32 s9, $0x1;
	s6 =	sadd.s32 s7, s19  }
0x9f: {  	s10 =	simm.s32 $0x0;
	s20 =	sshll.u32 s8, $0x1;
	s8 =	sadd.s32 s21, s6  }
0xa0: {  	[timem:s10], [sflag:s22] =	dma.local [hbm:s8], s20  }
0xa1: {  	_ =	swait.ge [sflag:s22], s20  }
0xa2: {  	s7 =	ssub.s32 $0x0, s20;
	[sflag:s22] =	ssyncset.done $0x0  }
0xa3: {  	[sflag:s22] =	ssyncadd.s32 s7;
	_ =	sdelay $0x1  }
0xa4: {  	s23 =	simm.s32 $0x1B8B  }
0xa5: {  	_ =	swait.ge [sflag:s23], $0x1  }
0xa6: {  	[sflag:s23] =	ssyncset.done $0x0  }
0xa7: {  	s25 =	simm.s32 $0x1B8E;
	s24 =	sld [smem:$0x3FFE];
	[sflag:s23] =	ssyncadd.s32 $0xFFFFFFFF  }
0xa8: {  	s26 =	simm.s32 $execute0_lowered;
	[smem:$0x3FD2] =	sst s25  }
0xa9: {  	s8 =	sshll.u32 s26, $0x1;
	_ =	strace $0x80000046;
	[dreg:$0x1] =	wrdreg $0xFFFFFFFF  }
0xaa: {  	s28 =	simm.s32 $_size_execute0_lowered;
	s6 =	sadd.s32 s6, s8;
	[dreg:$0x0] =	wrdreg $0x0  }
0xab: {  	s8 =	sshll.u32 s28, $0x1;
	[dreg:$0x2] =	wrdreg s6  }
0xac: {  	[dreg:$0x3] =	wrdreg s8  }
0xad: {  	[dreg:$0x4] =	wrdreg $0xC0  }
0xae: {  	_ =	task [dreg:s10], $0x5FFFF  }
0xaf: {  	[dreg:$0x1] =	wrdreg $0xFFFFFFFF  }
0xb0: {  	[dreg:$0x0] =	wrdreg $0x60  }
0xb1: {  	[dreg:$0x2] =	wrdreg s24  }
0xb2: {  	[dreg:$0x3] =	wrdreg s2  }
0xb3: {  	[dreg:$0x4] =	wrdreg s18  }
0xb4: {  	[dreg:$0x5] =	wrdreg s4  }
0xb5: {  	[dreg:$0x6] =	wrdreg s5  }
0xb6: {  	[dreg:$0x7] =	wrdreg $0x11D800  }
0xb7: {  	[dreg:$0x8] =	wrdreg $0x9  }
0xb8: {  	_ =	task.clear_ibuf [dreg:s10], $0x9FFFF;
	_ =	strace $0x90000046  }
0xb9: {  	s29 =	simm.s32 $0x9;
	_ =	strace $0x80000048  }
0xba: {  	_ =	swait.ge [sflag:s29], $0x1  }
0xbb: {  	[sflag:s29] =	ssyncadd.s32 $0xFFFFFFFF  }
0xbc: {  	_ =	strace $0x90000048  }
0xbd: {  	_ =	sfence  }
0xbe: {  	s30 =	sld [smem:$0x0];
	_ =	sdelay $0x2  }
0xbf: {  	s31 =	sshll.u32 s1, $0xD;
	s1 =	sshrl.u32 s1, $0x2  }
0xc0: {  	s3 =	sand.u32 $0x4000, s31;
	s1 =	sadd.s32 s1, s30  }
0xc1: {  	s0 =	sor.u32 s3, s0;
	s1 =	sshll.u32 s1, $0x11  }
0xc2: {  	s0 =	sor.u32 s1, s0  }
0xc3: {  	s0 =	sadd.s32 $0x8F2B, s0  }
0xc4: {  	[sflag:s0] =	ssyncadd.remote.s32 $0x1  }
0xc5: {  	_ =	sfence.sel $0xFFFF  }
0xc6: {  	[dreg:$0x0] =	wrdreg $0xFFFFFFFF;
	(pc) =	sbr.abs _section_cstart, $3  }
0xc7: {  	[dreg:$0x1] =	wrdreg $0xFFFFFFFF  }
0xc8: {  	_ =	task.clear_ibuf [dreg:s10], $0x2FFFF;
	_ =	strace $0x9FFFFFFF  }
0xc9: {  	(tm) =	ssettm $0x7FFFFFFF  }
tec
execute0_lowered:
.L_overlay_start_1:
0x0: {  	(tag) =	ssettag $0x1  }
0x1: {  	s1 =	rddreg [dreg:$0x0]  }
0x2: {  	s0 =	rddreg [dreg:$0x1]  }
0x3: {  	s2 =	rddreg [dreg:$0x4];
	s3 =	srdreg.scid  }
0x4: {  	s9 =	stileid.u32;
	s4 =	rddreg [dreg:$0x5];
	s19 =	simm.s32 $0x3  }
0x5: {  	s30 =	simm.s32 $0x1;
	s28 =	simm.s32 $0xAC00;
	s29 =	simm.s32 $0xB400  }
0x6: {  	s11 =	simm.s32 $0xE400;
	s12 =	simm.s32 $0xEC00;
	s13 =	simm.s32 $0xF400  }
0x7: {  	s14 =	simm.s32 $0xFC00;
	s15 =	simm.s32 $0x10400;
	s16 =	simm.s32 $0x2  }
0x8: {  	s17 =	simm.s32 $0x0;
	s3 =	sand.u32 $0x1, s3;
	s5 =	sshll.u32 s9, $0x1  }
0x9: {  	s25 =	sshll.u32 s9, $0x7;
	s9 =	simm.s32 $0xD400;
	s6 =	sor.u32 s3, s5  }
0xa: {  	s5 =	simm.s32 $0x0;
	s3 =	ssub.s32 $0x2, s3;
	s7 =	smul.u32 $0x180, s6  }
0xb: {  	[smem:$0x7FF] =	sst s5;
	s8 =	sshrl.u32 s3, $0x1;
	s6 =	sshll.u32 s6, $0x4  }
0xc: {  	_ =	strace $0x80000047;
	s3 =	ssub.s32 s3, s8;
	s26 =	sadd.s32 s2, s6  }
0xd: {  	s2 =	simm.s32 $0x9C00;
	s6 =	simm.s32 $0xC400;
	s8 =	simm.s32 $0xCC00  }
0xe: {  	s1 =	sadd.s32 s7, s1;
	[dreg:$0x9] =	wrdreg s26;
	s31 =	smax.u32 s3, $0x1  }
0xf: {  	v2 =	vlaneseq.u32;
	s3 =	simm.s32 $0xA400;
	s1 =	sadd.s32 $0x400, s1;
	[dreg:$0xa] =	wrdreg s31  }
0x10: {  	vm0 =	vmmov $0xffff;
	v3 =	vimm.f32 $0.0e+00;
	v1 =	vshrl.u32 v2, $0x3;
	s7 =	simm.s32 $0xDC00;
	[dreg:$0x7] =	wrdreg s1;
	s1 =	sadd.s32 s25, s4  }
0x11: {  	v0 =	vand.u32 $0x7, v2;
	v2 =	vor.u32 $0x8, v2;
	v1 =	vmul.u32 $0x8, v1;
	s4 =	simm.s32 $0x9400;
	[dreg:$0x8] =	wrdreg s1;
	s1 =	simm.s32 $0xBC00  }
.LBB2_1:
0x12: {  	[dreg:$0xb] =	wrdreg s17  }
0x13: {  	s10 =	rddreg [dreg:$0x7]  }
0x14: {  	[tilespmem:s5], [sflag:$0x3] =	stream.linear.gather [hbm4b:s10+s5], $0xA00, $0x38;
	[tilespmem:$0x11E00] =	vst v63  }
0x15: {  	_ =	swait.ge [sflag:s19], $0xA00  }
0x16: {  	[sflag:s19] =	ssyncset.done $0x0  }
0x17: {  	[sflag:s19] =	ssyncadd.s32 $0xFFFFF600  }
0x18: {  	v4 =	vld [tilespmem:$0x980];
	_ =	sdelay $0x4  }
0x19: {  	v5 =	vshll.u32 v4, $0x1  }
0x1a: {  	v4 =	vand.u32 $0x7, v4;
	v5 =	vand.u32 $0xFFFFFFF0, v5  }
0x1b: {  	v4 =	vor.u32 v4, v5  }
0x1c: {  	v5 =	vperm.xlane v4, v0;
	_ =	sdelay $0x1  }
0x1d: {  	v4 =	vperm.xlane v4, v2;
	v5 =	vadd.s32 v1, v5;
	_ =	sdelay $0x1  }
0x1e: {  	v4 =	vadd.s32 v1, v4;
	_ =	sdelay $0x1  }
0x1f: {  	s31 =	simm.s32 $0xC00  }
0x20: {  	[tilespmem:s31], [sflag:$0x1] =	stream.indirect_vreg.gather [hbm4b:s0+s5], $0x80, v5, vm0, $0xb8;
	[tilespmem:$0x11E00] =	vst v63  }
0x21: {  	s17 =	simm.s32 $0x1400  }
0x22: {  	[tilespmem:s17], [sflag:$0x1] =	stream.indirect_vreg.gather [hbm4b:s0+s5], $0x80, v4, vm0, $0xb8;
	[tilespmem:$0x11E00] =	vst v63  }
0x23: {  	v4 =	vld [tilespmem:$0x990];
	_ =	sdelay $0x4  }
0x24: {  	v5 =	vshll.u32 v4, $0x1  }
0x25: {  	v4 =	vand.u32 $0x7, v4;
	v5 =	vand.u32 $0xFFFFFFF0, v5  }
0x26: {  	v4 =	vor.u32 v4, v5  }
0x27: {  	v5 =	vperm.xlane v4, v0;
	_ =	sdelay $0x1  }
0x28: {  	v4 =	vperm.xlane v4, v2;
	v5 =	vadd.s32 v1, v5;
	_ =	sdelay $0x1  }
0x29: {  	v4 =	vadd.s32 v1, v4;
	_ =	sdelay $0x1  }
0x2a: {  	s18 =	simm.s32 $0x1C00  }
0x2b: {  	[tilespmem:s18], [sflag:$0x1] =	stream.indirect_vreg.gather [hbm4b:s0+s5], $0x80, v5, vm0, $0xb8;
	[tilespmem:$0x11E00] =	vst v63  }
0x2c: {  	s20 =	simm.s32 $0x2400  }
0x2d: {  	[tilespmem:s20], [sflag:$0x1] =	stream.indirect_vreg.gather [hbm4b:s0+s5], $0x80, v4, vm0, $0xb8;
	[tilespmem:$0x11E00] =	vst v63  }
0x2e: {  	v4 =	vld [tilespmem:$0x9A0];
	_ =	sdelay $0x4  }
0x2f: {  	v5 =	vshll.u32 v4, $0x1  }
0x30: {  	v4 =	vand.u32 $0x7, v4;
	v5 =	vand.u32 $0xFFFFFFF0, v5  }
0x31: {  	v4 =	vor.u32 v4, v5  }
0x32: {  	v5 =	vperm.xlane v4, v0;
	_ =	sdelay $0x1  }
0x33: {  	v4 =	vperm.xlane v4, v2;
	v5 =	vadd.s32 v1, v5;
	_ =	sdelay $0x1  }
0x34: {  	v4 =	vadd.s32 v1, v4;
	_ =	sdelay $0x1  }
0x35: {  	s21 =	simm.s32 $0x2C00  }
0x36: {  	[tilespmem:s21], [sflag:$0x1] =	stream.indirect_vreg.gather [hbm4b:s0+s5], $0x80, v5, vm0, $0xb8;
	[tilespmem:$0x11E00] =	vst v63  }
0x37: {  	s22 =	simm.s32 $0x3400  }
0x38: {  	[tilespmem:s22], [sflag:$0x1] =	stream.indirect_vreg.gather [hbm4b:s0+s5], $0x80, v4, vm0, $0xb8;
	[tilespmem:$0x11E00] =	vst v63  }
0x39: {  	v4 =	vld [tilespmem:$0x9B0];
	_ =	sdelay $0x4  }
0x3a: {  	v5 =	vshll.u32 v4, $0x1  }
0x3b: {  	v4 =	vand.u32 $0x7, v4;
	v5 =	vand.u32 $0xFFFFFFF0, v5  }
0x3c: {  	v4 =	vor.u32 v4, v5  }
0x3d: {  	v5 =	vperm.xlane v4, v0;
	_ =	sdelay $0x1  }
0x3e: {  	v4 =	vperm.xlane v4, v2;
	v5 =	vadd.s32 v1, v5;
	_ =	sdelay $0x1  }
0x3f: {  	v4 =	vadd.s32 v1, v4;
	_ =	sdelay $0x1  }
0x40: {  	s23 =	simm.s32 $0x3C00  }
0x41: {  	[tilespmem:s23], [sflag:$0x1] =	stream.indirect_vreg.gather [hbm4b:s0+s5], $0x80, v5, vm0, $0xb8;
	[tilespmem:$0x11E00] =	vst v63  }
0x42: {  	s24 =	simm.s32 $0x4400  }
0x43: {  	[tilespmem:s24], [sflag:$0x1] =	stream.indirect_vreg.gather [hbm4b:s0+s5], $0x80, v4, vm0, $0xb8;
	[tilespmem:$0x11E00] =	vst v63  }
0x44: {  	v4 =	vld [tilespmem:$0x9C0];
	_ =	sdelay $0x4  }
0x45: {  	v5 =	vshll.u32 v4, $0x1  }
0x46: {  	v4 =	vand.u32 $0x7, v4;
	v5 =	vand.u32 $0xFFFFFFF0, v5  }
0x47: {  	v4 =	vor.u32 v4, v5  }
0x48: {  	v5 =	vperm.xlane v4, v0;
	_ =	sdelay $0x1  }
0x49: {  	v4 =	vperm.xlane v4, v2;
	v5 =	vadd.s32 v1, v5;
	_ =	sdelay $0x1  }
0x4a: {  	v4 =	vadd.s32 v1, v4;
	_ =	sdelay $0x1  }
0x4b: {  	s25 =	simm.s32 $0x4C00  }
0x4c: {  	[tilespmem:s25], [sflag:$0x1] =	stream.indirect_vreg.gather [hbm4b:s0+s5], $0x80, v5, vm0, $0xb8;
	[tilespmem:$0x11E00] =	vst v63  }
0x4d: {  	s26 =	simm.s32 $0x5400  }
0x4e: {  	[tilespmem:s26], [sflag:$0x1] =	stream.indirect_vreg.gather [hbm4b:s0+s5], $0x80, v4, vm0, $0xb8;
	[tilespmem:$0x11E00] =	vst v63  }
0x4f: {  	v4 =	vld [tilespmem:$0x9D0];
	_ =	sdelay $0x4  }
0x50: {  	v5 =	vshll.u32 v4, $0x1  }
0x51: {  	v4 =	vand.u32 $0x7, v4;
	v5 =	vand.u32 $0xFFFFFFF0, v5  }
0x52: {  	v4 =	vor.u32 v4, v5  }
0x53: {  	v5 =	vperm.xlane v4, v0;
	_ =	sdelay $0x1  }
0x54: {  	v4 =	vperm.xlane v4, v2;
	v5 =	vadd.s32 v1, v5;
	_ =	sdelay $0x1  }
0x55: {  	v4 =	vadd.s32 v1, v4;
	_ =	sdelay $0x1  }
0x56: {  	s31 =	simm.s32 $0x5C00  }
0x57: {  	[tilespmem:s31], [sflag:$0x1] =	stream.indirect_vreg.gather [hbm4b:s0+s5], $0x80, v5, vm0, $0xb8;
	[tilespmem:$0x11E00] =	vst v63  }
0x58: {  	s17 =	simm.s32 $0x6400  }
0x59: {  	[tilespmem:s17], [sflag:$0x1] =	stream.indirect_vreg.gather [hbm4b:s0+s5], $0x80, v4, vm0, $0xb8;
	[tilespmem:$0x11E00] =	vst v63  }
0x5a: {  	v4 =	vld [tilespmem:$0x9E0];
	_ =	sdelay $0x4  }
0x5b: {  	v5 =	vshll.u32 v4, $0x1  }
0x5c: {  	v4 =	vand.u32 $0x7, v4;
	v5 =	vand.u32 $0xFFFFFFF0, v5  }
0x5d: {  	v4 =	vor.u32 v4, v5  }
0x5e: {  	v5 =	vperm.xlane v4, v0;
	_ =	sdelay $0x1  }
0x5f: {  	v4 =	vperm.xlane v4, v2;
	v5 =	vadd.s32 v1, v5;
	_ =	sdelay $0x1  }
0x60: {  	v4 =	vadd.s32 v1, v4;
	_ =	sdelay $0x1  }
0x61: {  	s18 =	simm.s32 $0x6C00  }
0x62: {  	[tilespmem:s18], [sflag:$0x1] =	stream.indirect_vreg.gather [hbm4b:s0+s5], $0x80, v5, vm0, $0xb8;
	[tilespmem:$0x11E00] =	vst v63  }
0x63: {  	s20 =	simm.s32 $0x7400  }
0x64: {  	[tilespmem:s20], [sflag:$0x1] =	stream.indirect_vreg.gather [hbm4b:s0+s5], $0x80, v4, vm0, $0xb8;
	[tilespmem:$0x11E00] =	vst v63  }
0x65: {  	v4 =	vld [tilespmem:$0x9F0];
	_ =	sdelay $0x4  }
0x66: {  	v5 =	vshll.u32 v4, $0x1  }
0x67: {  	v4 =	vand.u32 $0x7, v4;
	v5 =	vand.u32 $0xFFFFFFF0, v5  }
0x68: {  	v4 =	vor.u32 v4, v5  }
0x69: {  	v5 =	vperm.xlane v4, v0;
	_ =	sdelay $0x1  }
0x6a: {  	v4 =	vperm.xlane v4, v2;
	v5 =	vadd.s32 v1, v5;
	_ =	sdelay $0x1  }
0x6b: {  	v4 =	vadd.s32 v1, v4;
	_ =	sdelay $0x1  }
0x6c: {  	s21 =	simm.s32 $0x7C00  }
0x6d: {  	[tilespmem:s21], [sflag:$0x1] =	stream.indirect_vreg.gather [hbm4b:s0+s5], $0x80, v5, vm0, $0xb8;
	[tilespmem:$0x11E00] =	vst v63  }
0x6e: {  	s22 =	simm.s32 $0x8400  }
0x6f: {  	[tilespmem:s22], [sflag:$0x1] =	stream.indirect_vreg.gather [hbm4b:s0+s5], $0x80, v4, vm0, $0xb8;
	[tilespmem:$0x11E00] =	vst v63  }
0x70: {  	s23 =	rddreg [dreg:$0x2];
	s24 =	simm.s32 $0x11480  }
0x71: {  	[tilespmem:s24], [sflag:$0x3] =	stream.linear.gather [hbm4b:s23+s5], $0x80, $0x38;
	[tilespmem:$0x11E00] =	vst v63  }
0x72: {  	_ =	swait.ge [sflag:s19], $0x80  }
0x73: {  	[sflag:s19] =	ssyncset.done $0x0  }
0x74: {  	[sflag:s19] =	ssyncadd.s32 $0xFFFFFF80  }
0x75: {  	s26 =	simm.s32 $0x11500;
	s25 =	rddreg [dreg:$0x3]  }
0x76: {  	[tilespmem:s26], [sflag:$0x3] =	stream.linear.gather [hbm4b:s25+s5], $0x80, $0x38;
	[tilespmem:$0x11E00] =	vst v63  }
0x77: {  	_ =	swait.ge [sflag:s19], $0x80  }
0x78: {  	s31 =	simm.s32 $0x1;
	[sflag:s19] =	ssyncset.done $0x0  }
0x79: {  	s10 =	simm.s32 $0x11590;
	v4 =	vmov s31;
	[sflag:s19] =	ssyncadd.s32 $0xFFFFFF80  }
0x7a: {  	v5 =	vmov s5;
	[tilespmem:s10+$0x0] =	vst v4  }
0x7b: {  	s17 =	simm.s32 $0x2;
	[tilespmem:s10+$0xFFFFFFF0] =	vst v5  }
.LBB2_2:
0x7c: {  	p0 =	slt.u32 s17, $0x7E  }
.Ltmp0:
0x7d: {  	_ = 	snop;
	(pc) =	sbr.rel @p0 .LBB2_2-.Ltmp0, $4  }
0x7e: {  	s18 =	sadd.s32 $0x1, s17  }
0x7f: {  	s19 =	smov.u32 s17;
	s10 =	sadd.s32 $0x20, s10;
	v4 =	vmov s18  }
0x80: {  	v5 =	vmov s19;
	[tilespmem:s10+$0x0] =	vst v4  }
0x81: {  	s17 =	sadd.s32 $0x2, s17;
	[tilespmem:s10+$0xFFFFFFF0] =	vst v5  }
0x82: {  	v5 =	vld [tilespmem:$0x11500];
	_ =	sdelay $0x3  }
0x83: {  	s10 =	simm.s32 $0x10C10  }
0x84: {  	v4 =	vld [tilespmem:$0x11480];
	s17 =	simm.s32 $0x0;
	[tilespmem:s10+$0xFFFFFFF0] =	vst v5  }
.LBB2_4:
0x85: {  	s17 =	sadd.s32 $0x2, s17  }
0x86: {  	p0 =	slt.u32 s17, $0x7E  }
.Ltmp1:
0x87: {  	_ = 	snop;
	(pc) =	sbr.rel @p0 .LBB2_4-.Ltmp1, $3  }
0x88: {  	_ =	sdelay $0x1  }
0x89: {  	[tilespmem:s10+$0x0] =	vst v5;
	s10 =	sadd.s32 $0x20, s10  }
0x8a: {  	[tilespmem:s10+$0xFFFFFFF0] =	vst v5  }
0x8b: {  	[tilespmem:s10+$0x0] =	vst v5;
	s17 =	simm.s32 $0x0;
	s18 =	simm.s32 $0x0  }
.LBB2_6:
0x8c: {  	_ =	swait.ge [sflag:s30], $0x8000  }
0x8d: {  	s19 =	sshll.u32 s18, $0x8;
	[sflag:s30] =	ssyncset.done $0x0  }
0x8e: {  	s10 =	ssub.s32 $0x900, s19;
	[sflag:s30] =	ssyncadd.s32 $0xFFFF8000  }
0x8f: {  	v5 =	vld [tilespmem:s10+$0x0];
	_ =	sdelay $0x4  }
0x90: {  	v6 =	vshll.u32 v5, $0x1  }
0x91: {  	v5 =	vand.u32 $0x7, v5;
	v6 =	vand.u32 $0xFFFFFFF0, v6  }
0x92: {  	v5 =	vor.u32 v5, v6  }
0x93: {  	v6 =	vperm.xlane v5, v0;
	_ =	sdelay $0x1  }
0x94: {  	v5 =	vperm.xlane v5, v2;
	v6 =	vadd.s32 v1, v6;
	_ =	sdelay $0x1  }
0x95: {  	v5 =	vadd.s32 v1, v5;
	_ =	sdelay $0x1  }
0x96: {  	s25 =	simm.s32 $0x8C00  }
0x97: {  	[tilespmem:s25], [sflag:$0x2] =	stream.indirect_vreg.gather [hbm4b:s0+s17], $0x80, v6, vm0, $0xb8;
	[tilespmem:$0x11E00] =	vst v63  }
0x98: {  	s26 =	ssub.s32 $0x910, s19  }
0x99: {  	[tilespmem:s4], [sflag:$0x2] =	stream.indirect_vreg.gather [hbm4b:s0+s17], $0x80, v5, vm0, $0xb8;
	[tilespmem:$0x11E00] =	vst v63  }
0x9a: {  	v5 =	vld [tilespmem:s26+$0x0];
	_ =	sdelay $0x4  }
0x9b: {  	v6 =	vshll.u32 v5, $0x1  }
0x9c: {  	v5 =	vand.u32 $0x7, v5;
	v6 =	vand.u32 $0xFFFFFFF0, v6  }
0x9d: {  	v5 =	vor.u32 v5, v6  }
0x9e: {  	v6 =	vperm.xlane v5, v0;
	_ =	sdelay $0x1  }
0x9f: {  	v5 =	vperm.xlane v5, v2;
	v6 =	vadd.s32 v1, v6;
	_ =	sdelay $0x1  }
0xa0: {  	v5 =	vadd.s32 v1, v5;
	_ =	sdelay $0x2  }
0xa1: {  	[tilespmem:s2], [sflag:$0x2] =	stream.indirect_vreg.gather [hbm4b:s0+s17], $0x80, v6, vm0, $0xb8;
	[tilespmem:$0x11E00] =	vst v63  }
0xa2: {  	s31 =	ssub.s32 $0x920, s19  }
0xa3: {  	[tilespmem:s3], [sflag:$0x2] =	stream.indirect_vreg.gather [hbm4b:s0+s17], $0x80, v5, vm0, $0xb8;
	[tilespmem:$0x11E00] =	vst v63  }
0xa4: {  	v5 =	vld [tilespmem:s31+$0x0];
	_ =	sdelay $0x4  }
0xa5: {  	v6 =	vshll.u32 v5, $0x1  }
0xa6: {  	v5 =	vand.u32 $0x7, v5;
	v6 =	vand.u32 $0xFFFFFFF0, v6  }
0xa7: {  	v5 =	vor.u32 v5, v6  }
0xa8: {  	v6 =	vperm.xlane v5, v0;
	_ =	sdelay $0x1  }
0xa9: {  	v5 =	vperm.xlane v5, v2;
	v6 =	vadd.s32 v1, v6;
	_ =	sdelay $0x1  }
0xaa: {  	v5 =	vadd.s32 v1, v5;
	_ =	sdelay $0x2  }
0xab: {  	[tilespmem:s28], [sflag:$0x2] =	stream.indirect_vreg.gather [hbm4b:s0+s17], $0x80, v6, vm0, $0xb8;
	[tilespmem:$0x11E00] =	vst v63  }
0xac: {  	s20 =	ssub.s32 $0x930, s19  }
0xad: {  	[tilespmem:s29], [sflag:$0x2] =	stream.indirect_vreg.gather [hbm4b:s0+s17], $0x80, v5, vm0, $0xb8;
	[tilespmem:$0x11E00] =	vst v63  }
0xae: {  	v5 =	vld [tilespmem:s20+$0x0];
	_ =	sdelay $0x4  }
0xaf: {  	v6 =	vshll.u32 v5, $0x1  }
0xb0: {  	v5 =	vand.u32 $0x7, v5;
	v6 =	vand.u32 $0xFFFFFFF0, v6  }
0xb1: {  	v5 =	vor.u32 v5, v6  }
0xb2: {  	v6 =	vperm.xlane v5, v0;
	_ =	sdelay $0x1  }
0xb3: {  	v5 =	vperm.xlane v5, v2;
	v6 =	vadd.s32 v1, v6;
	_ =	sdelay $0x1  }
0xb4: {  	v5 =	vadd.s32 v1, v5;
	_ =	sdelay $0x2  }
0xb5: {  	[tilespmem:s1], [sflag:$0x2] =	stream.indirect_vreg.gather [hbm4b:s0+s17], $0x80, v6, vm0, $0xb8;
	[tilespmem:$0x11E00] =	vst v63  }
0xb6: {  	s21 =	ssub.s32 $0x940, s19  }
0xb7: {  	[tilespmem:s6], [sflag:$0x2] =	stream.indirect_vreg.gather [hbm4b:s0+s17], $0x80, v5, vm0, $0xb8;
	[tilespmem:$0x11E00] =	vst v63  }
0xb8: {  	v5 =	vld [tilespmem:s21+$0x0];
	_ =	sdelay $0x4  }
0xb9: {  	v6 =	vshll.u32 v5, $0x1  }
0xba: {  	v5 =	vand.u32 $0x7, v5;
	v6 =	vand.u32 $0xFFFFFFF0, v6  }
0xbb: {  	v5 =	vor.u32 v5, v6  }
0xbc: {  	v6 =	vperm.xlane v5, v0;
	_ =	sdelay $0x1  }
0xbd: {  	v5 =	vperm.xlane v5, v2;
	v6 =	vadd.s32 v1, v6;
	_ =	sdelay $0x1  }
0xbe: {  	v5 =	vadd.s32 v1, v5;
	_ =	sdelay $0x2  }
0xbf: {  	[tilespmem:s8], [sflag:$0x2] =	stream.indirect_vreg.gather [hbm4b:s0+s17], $0x80, v6, vm0, $0xb8;
	[tilespmem:$0x11E00] =	vst v63  }
0xc0: {  	s22 =	ssub.s32 $0x950, s19  }
0xc1: {  	[tilespmem:s9], [sflag:$0x2] =	stream.indirect_vreg.gather [hbm4b:s0+s17], $0x80, v5, vm0, $0xb8;
	[tilespmem:$0x11E00] =	vst v63  }
0xc2: {  	v5 =	vld [tilespmem:s22+$0x0];
	_ =	sdelay $0x4  }
0xc3: {  	v6 =	vshll.u32 v5, $0x1  }
0xc4: {  	v5 =	vand.u32 $0x7, v5;
	v6 =	vand.u32 $0xFFFFFFF0, v6  }
0xc5: {  	v5 =	vor.u32 v5, v6  }
0xc6: {  	v6 =	vperm.xlane v5, v0;
	_ =	sdelay $0x1  }
0xc7: {  	v5 =	vperm.xlane v5, v2;
	v6 =	vadd.s32 v1, v6;
	_ =	sdelay $0x1  }
0xc8: {  	v5 =	vadd.s32 v1, v5;
	_ =	sdelay $0x2  }
0xc9: {  	[tilespmem:s7], [sflag:$0x2] =	stream.indirect_vreg.gather [hbm4b:s0+s17], $0x80, v6, vm0, $0xb8;
	[tilespmem:$0x11E00] =	vst v63  }
0xca: {  	s23 =	ssub.s32 $0x960, s19  }
0xcb: {  	[tilespmem:s11], [sflag:$0x2] =	stream.indirect_vreg.gather [hbm4b:s0+s17], $0x80, v5, vm0, $0xb8;
	[tilespmem:$0x11E00] =	vst v63  }
0xcc: {  	v5 =	vld [tilespmem:s23+$0x0];
	_ =	sdelay $0x4  }
0xcd: {  	v6 =	vshll.u32 v5, $0x1  }
0xce: {  	v5 =	vand.u32 $0x7, v5;
	v6 =	vand.u32 $0xFFFFFFF0, v6  }
0xcf: {  	v5 =	vor.u32 v5, v6  }
0xd0: {  	v6 =	vperm.xlane v5, v0;
	_ =	sdelay $0x1  }
0xd1: {  	v5 =	vperm.xlane v5, v2;
	v6 =	vadd.s32 v1, v6;
	_ =	sdelay $0x1  }
0xd2: {  	v5 =	vadd.s32 v1, v5;
	_ =	sdelay $0x2  }
0xd3: {  	[tilespmem:s12], [sflag:$0x2] =	stream.indirect_vreg.gather [hbm4b:s0+s17], $0x80, v6, vm0, $0xb8;
	[tilespmem:$0x11E00] =	vst v63  }
0xd4: {  	s24 =	ssub.s32 $0x970, s19  }
0xd5: {  	[tilespmem:s13], [sflag:$0x2] =	stream.indirect_vreg.gather [hbm4b:s0+s17], $0x80, v5, vm0, $0xb8;
	[tilespmem:$0x11E00] =	vst v63  }
0xd6: {  	v5 =	vld [tilespmem:s24+$0x0];
	_ =	sdelay $0x4  }
0xd7: {  	v6 =	vshll.u32 v5, $0x1  }
0xd8: {  	v5 =	vand.u32 $0x7, v5;
	v6 =	vand.u32 $0xFFFFFFF0, v6  }
0xd9: {  	v5 =	vor.u32 v5, v6  }
0xda: {  	v6 =	vperm.xlane v5, v0;
	_ =	sdelay $0x1  }
0xdb: {  	v5 =	vperm.xlane v5, v2;
	v6 =	vadd.s32 v1, v6;
	_ =	sdelay $0x1  }
0xdc: {  	v5 =	vadd.s32 v1, v5;
	_ =	sdelay $0x2  }
0xdd: {  	[tilespmem:s14], [sflag:$0x2] =	stream.indirect_vreg.gather [hbm4b:s0+s17], $0x80, v6, vm0, $0xb8;
	[tilespmem:$0x11E00] =	vst v63  }
0xde: {  	s25 =	simm.s32 $0x80;
	s20 =	simm.s32 $0x10C10;
	s21 =	sand.u32 $0x7800, s17  }
0xdf: {  	[tilespmem:s15], [sflag:$0x2] =	stream.indirect_vreg.gather [hbm4b:s0+s17], $0x80, v5, vm0, $0xb8;
	[tilespmem:$0x11E00] =	vst v63  }
0xe0: {  	s10 =	sand.u32 $0x380, s25;
	s21 =	sadd.s32 $0xC00, s21;
	v5 =	vld [tilespmem:s20+$0x0]  }
0xe1: {  	s10 =	sor.u32 s10, s21  }
0xe2: {  	v6 =	vld [tilespmem:s10+$0x0]  }
0xe3: {  	v7 =	vld [tilespmem:s10+$0x10]  }
0xe4: {  	v8 =	vld [tilespmem:s10+$0x20]  }
0xe5: {  	v11 =	vld [tilespmem:s10+$0x30];
	v9 =	vbroadcast v5, $0x0;
	v10 =	vbroadcast v5, $0x1  }
0xe6: {  	v14 =	vld [tilespmem:s10+$0x40];
	v12 =	vbroadcast v5, $0x2;
	v13 =	vbroadcast v5, $0x3  }
0xe7: {  	v16 =	vld [tilespmem:s10+$0x50];
	v15 =	vbroadcast v5, $0x4;
	v17 =	vbroadcast v5, $0x5  }
0xe8: {  	v19 =	vld [tilespmem:s10+$0x60];
	v18 =	vbroadcast v5, $0x6;
	v20 =	vbroadcast v5, $0x7  }
0xe9: {  	v22 =	vld [tilespmem:s10+$0x70];
	v21 =	vbroadcast v5, $0x8;
	v23 =	vbroadcast v5, $0x9  }
0xea: {  	v25 =	vld [tilespmem:s10+$0x400];
	v24 =	vbroadcast v5, $0xA;
	v26 =	vbroadcast v5, $0xB  }
0xeb: {  	v28 =	vld [tilespmem:s10+$0x410];
	v27 =	vbroadcast v5, $0xC;
	v29 =	vbroadcast v5, $0xD  }
0xec: {  	v31 =	vld [tilespmem:s10+$0x420];
	v30 =	vbroadcast v5, $0xE;
	v5 =	vbroadcast v5, $0xF  }
0xed: {  	s22 =	simm.s32 $0x0;
	v32 =	vld [tilespmem:s10+$0x430];
	v6 =	vmax.f32 v6, $0.0e+00;
	v7 =	vmax.f32 v7, $0.0e+00;
	v8 =	vmax.f32 v8, $0.0e+00  }
0xee: {  	s22 =	sand.u32 $0x300, s22;
	v33 =	vld [tilespmem:s10+$0x440];
	v11 =	vmax.f32 v11, $0.0e+00;
	v14 =	vmax.f32 v14, $0.0e+00;
	v16 =	vmax.f32 v16, $0.0e+00  }
0xef: {  	s26 =	sor.u32 s22, s21;
	v34 =	vld [tilespmem:s10+$0x450];
	v19 =	vmax.f32 v19, $0.0e+00;
	v22 =	vmax.f32 v22, $0.0e+00;
	v25 =	vmax.f32 v25, $0.0e+00  }
0xf0: {  	v50 =	vld [tilespmem:s26+$0x450];
	v6 =	vmul.f32 v6, v9;
	v7 =	vmul.f32 v7, v10;
	v9 =	vmax.f32 v28, $0.0e+00  }
0xf1: {  	v8 =	vmul.f32 v8, v12;
	v11 =	vmul.f32 v11, v13;
	v12 =	vmax.f32 v31, $0.0e+00  }
0xf2: {  	v14 =	vmul.f32 v14, v15;
	v15 =	vmul.f32 v16, v17;
	v17 =	vmax.f32 v32, $0.0e+00  }
0xf3: {  	v51 =	vld [tilespmem:s26+$0x460];
	v18 =	vmul.f32 v19, v18;
	v19 =	vmul.f32 v22, v20;
	v22 =	vmax.f32 v33, $0.0e+00  }
0xf4: {  	v16 =	vld [tilespmem:s20+$0xFFFFFFF0];
	v21 =	vmul.f32 v25, v21;
	v25 =	vmax.f32 v34, $0.0e+00;
	v9 =	vmul.f32 v9, v23  }
0xf5: {  	v10 =	vld [tilespmem:s10+$0x460];
	v32 =	vmax.f32 v50, $0.0e+00;
	v12 =	vmul.f32 v12, v24;
	v17 =	vmul.f32 v17, v26  }
0xf6: {  	v13 =	vld [tilespmem:s10+$0x470];
	v22 =	vmul.f32 v22, v27;
	v6 =	vadd.f32 v7, v6;
	v8 =	vadd.f32 v11, v8  }
0xf7: {  	v23 =	vld [tilespmem:s26+$0x10];
	v25 =	vmul.f32 v25, v29;
	v11 =	vadd.f32 v15, v14;
	v14 =	vadd.f32 v19, v18  }
0xf8: {  	v33 =	vmax.f32 v51, $0.0e+00;
	v26 =	vld [tilespmem:s26+$0x30];
	v9 =	vadd.f32 v9, v21;
	v12 =	vadd.f32 v17, v12  }
0xf9: {  	v29 =	vld [tilespmem:s26+$0x440];
	v19 =	vadd.f32 v25, v22;
	v15 =	vbroadcast v16, $0x0;
	v17 =	vbroadcast v16, $0x1  }
0xfa: {  	v7 =	vld [tilespmem:s26+$0x40];
	v11 =	vadd.f32 v14, v11;
	v14 =	vbroadcast v16, $0x3;
	v25 =	vbroadcast v16, $0x5  }
0xfb: {  	v18 =	vld [tilespmem:s26+$0x60];
	v6 =	vadd.f32 v8, v6;
	v27 =	vbroadcast v16, $0x6;
	v28 =	vbroadcast v16, $0x8  }
0xfc: {  	v21 =	vld [tilespmem:s26+$0x70];
	v10 =	vmax.f32 v10, $0.0e+00;
	v31 =	vbroadcast v16, $0xA;
	v52 =	vbroadcast v16, $0xC  }
0xfd: {  	v8 =	vld [tilespmem:s26+$0x400];
	v13 =	vmax.f32 v13, $0.0e+00;
	v35 =	vbroadcast v16, $0xD;
	v37 =	vbroadcast v16, $0xE  }
0xfe: {  	v20 =	vld [tilespmem:s26+$0x0];
	v9 =	vadd.f32 v12, v9;
	v10 =	vmul.f32 v10, v30;
	v5 =	vmul.f32 v13, v5  }
0xff: {  	v13 =	vld [tilespmem:s26+$0x50];
	v6 =	vadd.f32 v11, v6;
	v23 =	vmax.f32 v23, $0.0e+00;
	v30 =	vbroadcast v16, $0x9  }
0x100: {  	v26 =	vmax.f32 v26, $0.0e+00;
	v29 =	vmax.f32 v29, $0.0e+00;
	v7 =	vmax.f32 v7, $0.0e+00  }
0x101: {  	v22 =	vld [tilespmem:s26+$0x420];
	v18 =	vmax.f32 v18, $0.0e+00;
	v17 =	vmul.f32 v23, v17;
	v5 =	vadd.f32 v5, v10  }
0x102: {  	v24 =	vld [tilespmem:s26+$0x20];
	v10 =	vbroadcast v16, $0x2;
	v21 =	vmax.f32 v21, $0.0e+00;
	v8 =	vmax.f32 v8, $0.0e+00  }
0x103: {  	v11 =	vld [tilespmem:s26+$0x430];
	v5 =	vadd.f32 v5, v19;
	v19 =	vmax.f32 v20, $0.0e+00;
	v20 =	vbroadcast v16, $0x4  }
0x104: {  	v8 =	vmul.f32 v8, v28;
	v13 =	vmax.f32 v13, $0.0e+00;
	v15 =	vmul.f32 v19, v15  }
0x105: {  	v5 =	vadd.f32 v5, v9;
	v9 =	vbroadcast v16, $0x7;
	v7 =	vmul.f32 v7, v20  }
0x106: {  	v36 =	vld [tilespmem:s26+$0x470];
	v22 =	vmax.f32 v22, $0.0e+00;
	v13 =	vmul.f32 v13, v25;
	v20 =	vmul.f32 v32, v35  }
0x107: {  	v12 =	vld [tilespmem:s26+$0x410];
	v5 =	vadd.f32 v5, v6;
	v6 =	vmax.f32 v24, $0.0e+00;
	v24 =	vbroadcast v16, $0xB  }
0x108: {  	s22 =	simm.s32 $0x10C30;
	v11 =	vmax.f32 v11, $0.0e+00;
	v16 =	vbroadcast v16, $0xF;
	v9 =	vmul.f32 v21, v9  }
0x109: {  	s31 =	simm.s32 $0x200;
	v6 =	vmul.f32 v6, v10;
	v10 =	vmul.f32 v26, v14;
	v14 =	vadd.f32 v17, v15;
	v15 =	vld [tilespmem:s22+$0x0]  }
0x10a: {  	s21 =	simm.s32 $0x180;
	s10 =	sand.u32 $0x7800, s31;
	v7 =	vadd.f32 v13, v7;
	v13 =	vmul.f32 v22, v31;
	v21 =	vmul.f32 v33, v37  }
0x10b: {  	s23 =	sand.u32 $0x380, s21;
	s10 =	sadd.s32 $0xC00, s10;
	v19 =	vmax.f32 v36, $0.0e+00;
	v17 =	vmul.f32 v18, v27;
	v18 =	vmul.f32 v29, v52  }
0x10c: {  	s23 =	sor.u32 s23, s10;
	v12 =	vmax.f32 v12, $0.0e+00;
	v11 =	vmul.f32 v11, v24;
	v16 =	vmul.f32 v19, v16  }
0x10d: {  	v58 =	vld [tilespmem:s23+$0x450];
	v6 =	vadd.f32 v10, v6;
	v10 =	vmul.f32 v12, v30;
	v9 =	vadd.f32 v9, v17  }
0x10e: {  	v25 =	vld [tilespmem:s23+$0x50];
	v11 =	vadd.f32 v11, v13;
	v13 =	vbroadcast v15, $0x0;
	v19 =	vbroadcast v15, $0x1  }
0x10f: {  	v22 =	vld [tilespmem:s23+$0x30];
	v18 =	vadd.f32 v20, v18;
	v20 =	vbroadcast v15, $0x2;
	v23 =	vbroadcast v15, $0x3  }
0x110: {  	v24 =	vld [tilespmem:s23+$0x40];
	v16 =	vadd.f32 v16, v21;
	v21 =	vbroadcast v15, $0x4;
	v26 =	vbroadcast v15, $0x5  }
0x111: {  	v12 =	vld [tilespmem:s23+$0x0];
	v8 =	vadd.f32 v10, v8;
	v27 =	vbroadcast v15, $0x6;
	v28 =	vbroadcast v15, $0x7  }
0x112: {  	v17 =	vld [tilespmem:s23+$0x10];
	v6 =	vadd.f32 v6, v14;
	v29 =	vbroadcast v15, $0x8;
	v30 =	vbroadcast v15, $0x9  }
0x113: {  	s24 =	simm.s32 $0x100;
	v10 =	vld [tilespmem:s23+$0x20];
	v7 =	vadd.f32 v9, v7;
	v31 =	vbroadcast v15, $0xA;
	v53 =	vbroadcast v15, $0xB  }
0x114: {  	s24 =	sand.u32 $0x300, s24;
	v14 =	vld [tilespmem:s23+$0x60];
	v16 =	vadd.f32 v16, v18;
	v54 =	vbroadcast v15, $0xC;
	v8 =	vadd.f32 v11, v8  }
0x115: {  	s10 =	sor.u32 s24, s10;
	v9 =	vld [tilespmem:s23+$0x70];
	v55 =	vbroadcast v15, $0xD;
	v56 =	vbroadcast v15, $0xE  }
0x116: {  	v62 =	vld [tilespmem:s10+$0x410];
	v15 =	vbroadcast v15, $0xF;
	v6 =	vadd.f32 v7, v6;
	v57 =	vadd.f32 v16, v8  }
0x117: {  	v18 =	vld [tilespmem:s23+$0x410];
	v8 =	vmax.f32 v12, $0.0e+00;
	v12 =	vmax.f32 v17, $0.0e+00;
	v17 =	vmax.f32 v22, $0.0e+00  }
0x118: {  	v11 =	vld [tilespmem:s23+$0x400];
	v22 =	vmax.f32 v24, $0.0e+00;
	v24 =	vmax.f32 v25, $0.0e+00;
	v10 =	vmax.f32 v10, $0.0e+00  }
0x119: {  	v7 =	vld [tilespmem:s23+$0x420];
	v14 =	vmax.f32 v14, $0.0e+00;
	v8 =	vmul.f32 v8, v13;
	v12 =	vmul.f32 v12, v19  }
0x11a: {  	v16 =	vld [tilespmem:s23+$0x430];
	v9 =	vmax.f32 v9, $0.0e+00;
	v17 =	vmul.f32 v17, v23;
	v21 =	vmul.f32 v22, v21  }
0x11b: {  	v25 =	vld [tilespmem:s23+$0x440];
	v22 =	vmul.f32 v24, v26;
	v26 =	vmax.f32 v58, $0.0e+00;
	v10 =	vmul.f32 v10, v20  }
0x11c: {  	v19 =	vld [tilespmem:s23+$0x470];
	v13 =	vmax.f32 v18, $0.0e+00;
	v14 =	vmul.f32 v14, v27;
	v9 =	vmul.f32 v9, v28  }
0x11d: {  	[tilespmem:s20+$0x0] =	vst v5;
	v23 =	vld [tilespmem:s10+$0x0];
	v26 =	vmul.f32 v26, v55;
	v5 =	vadd.f32 v57, v6;
	v11 =	vmax.f32 v11, $0.0e+00  }
0x11e: {  	v20 =	vld [tilespmem:s22+$0xFFFFFFF0];
	v7 =	vmax.f32 v7, $0.0e+00;
	v13 =	vmul.f32 v13, v30;
	v8 =	vadd.f32 v12, v8  }
0x11f: {  	v18 =	vld [tilespmem:s23+$0x460];
	v11 =	vmul.f32 v11, v29;
	v7 =	vmul.f32 v7, v31;
	v10 =	vadd.f32 v17, v10  }
0x120: {  	v27 =	vld [tilespmem:s10+$0x20];
	v9 =	vadd.f32 v9, v14;
	v16 =	vmax.f32 v16, $0.0e+00;
	v24 =	vmax.f32 v25, $0.0e+00  }
0x121: {  	v28 =	vld [tilespmem:s10+$0x30];
	v16 =	vmul.f32 v16, v53;
	v24 =	vmul.f32 v24, v54;
	v19 =	vmax.f32 v19, $0.0e+00  }
0x122: {  	v63 =	vld [tilespmem:s10+$0x420];
	v11 =	vadd.f32 v13, v11;
	v8 =	vadd.f32 v10, v8;
	v12 =	vmul.f32 v19, v15  }
0x123: {  	v39 =	vld [tilespmem:s10+$0x430];
	v23 =	vmax.f32 v23, $0.0e+00;
	v59 =	vbroadcast v20, $0x0;
	v60 =	vbroadcast v20, $0x1  }
0x124: {  	v29 =	vld [tilespmem:s10+$0x40];
	v18 =	vmax.f32 v18, $0.0e+00;
	v61 =	vbroadcast v20, $0x2;
	v38 =	vbroadcast v20, $0x3  }
0x125: {  	v31 =	vld [tilespmem:s10+$0x50];
	v15 =	vadd.f32 v22, v21;
	v14 =	vbroadcast v20, $0x5;
	v19 =	vbroadcast v20, $0x7  }
0x126: {  	v45 =	vld [tilespmem:s10+$0x470];
	v44 =	vmax.f32 v27, $0.0e+00;
	v46 =	vmax.f32 v28, $0.0e+00;
	v17 =	vbroadcast v20, $0xD  }
0x127: {  	v25 =	vld [tilespmem:s10+$0x10];
	v27 =	vmax.f32 v62, $0.0e+00;
	v18 =	vmul.f32 v18, v56;
	v7 =	vadd.f32 v16, v7  }
0x128: {  	v40 =	vld [tilespmem:s10+$0x440];
	v13 =	vadd.f32 v26, v24;
	v16 =	vbroadcast v20, $0xB;
	v10 =	vadd.f32 v9, v15  }
0x129: {  	v42 =	vld [tilespmem:s10+$0x450];
	v9 =	vbroadcast v20, $0x6;
	v15 =	vbroadcast v20, $0x9;
	v30 =	vmax.f32 v29, $0.0e+00  }
0x12a: {  	v21 =	vld [tilespmem:s10+$0x60];
	v31 =	vmax.f32 v31, $0.0e+00;
	v34 =	vmul.f32 v23, v59;
	v12 =	vadd.f32 v12, v18  }
0x12b: {  	v22 =	vld [tilespmem:s10+$0x70];
	v23 =	vmax.f32 v45, $0.0e+00;
	v32 =	vmul.f32 v44, v61;
	v33 =	vmul.f32 v46, v38  }
0x12c: {  	v24 =	vld [tilespmem:s10+$0x400];
	v7 =	vadd.f32 v7, v11;
	v41 =	vmax.f32 v25, $0.0e+00;
	v11 =	vadd.f32 v12, v13  }
0x12d: {  	v43 =	vld [tilespmem:s10+$0x460];
	v18 =	vbroadcast v20, $0xF;
	v25 =	vmax.f32 v39, $0.0e+00;
	v10 =	vadd.f32 v10, v8  }
0x12e: {  	v8 =	vbroadcast v20, $0xA;
	v35 =	vmul.f32 v41, v60;
	v7 =	vadd.f32 v11, v7  }
0x12f: {  	v13 =	vbroadcast v20, $0x4;
	v12 =	vbroadcast v20, $0xE;
	v28 =	vmax.f32 v21, $0.0e+00  }
0x130: {  	v29 =	vmax.f32 v22, $0.0e+00;
	v21 =	vmax.f32 v40, $0.0e+00;
	v7 =	vadd.f32 v7, v10  }
0x131: {  	v22 =	vmax.f32 v42, $0.0e+00;
	v26 =	vmax.f32 v24, $0.0e+00;
	v24 =	vmax.f32 v63, $0.0e+00  }
0x132: {  	s25 =	simm.s32 $0x400;
	s24 =	simm.s32 $0x2;
	s23 =	simm.s32 $0x10C30;
	v11 =	vbroadcast v20, $0x8;
	v10 =	vbroadcast v20, $0xC;
	v20 =	vmax.f32 v43, $0.0e+00;
	[tilespmem:s22+$0x0] =	vst v7  }
.LBB2_7:
0x133: {  	s10 =	sand.u32 $0x7800, s25;
	v6 =	vmul.f32 v30, v13;
	v7 =	vmul.f32 v31, v14;
	v13 =	vadd.f32 v35, v34;
	s21 =	sadd.s32 $0x100, s21;
	s22 =	sadd.s32 $0x20, s22  }
0x134: {  	v9 =	vmul.f32 v28, v9;
	v19 =	vmul.f32 v29, v19;
	s26 =	sadd.s32 $0xFFFFFF80, s21;
	s31 =	sadd.s32 $0xC00, s10;
	v14 =	vld [tilespmem:s22+$0x0];
	s10 =	sand.u32 $0x380, s21;
	v28 =	vadd.f32 v33, v32;
	[tilespmem:s20+$0xFFFFFFF0] =	vst v5  }
0x135: {  	v11 =	vmul.f32 v26, v11;
	v15 =	vmul.f32 v27, v15;
	s20 =	smov.u32 s23;
	v5 =	vld [tilespmem:s22+$0xFFFFFFF0];
	s26 =	sand.u32 $0x300, s26;
	s10 =	sor.u32 s10, s31;
	v6 =	vadd.f32 v7, v6  }
0x136: {  	s23 =	smov.u32 s22;
	v7 =	vmul.f32 v24, v8;
	v8 =	vmul.f32 v25, v16;
	v9 =	vadd.f32 v19, v9;
	s26 =	sor.u32 s26, s31;
	v26 =	vld [tilespmem:s10+$0x0]  }
0x137: {  	v10 =	vmul.f32 v21, v10;
	v17 =	vmul.f32 v22, v17;
	v11 =	vadd.f32 v15, v11;
	v16 =	vld [tilespmem:s10+$0x10]  }
0x138: {  	v12 =	vmul.f32 v20, v12;
	v18 =	vmul.f32 v23, v18;
	v7 =	vadd.f32 v8, v7;
	v15 =	vld [tilespmem:s10+$0x20]  }
0x139: {  	v10 =	vadd.f32 v17, v10;
	v8 =	vbroadcast v14, $0x0;
	v19 =	vbroadcast v14, $0x1;
	v20 =	vld [tilespmem:s10+$0x30]  }
0x13a: {  	v12 =	vadd.f32 v18, v12;
	v17 =	vbroadcast v14, $0x2;
	v21 =	vbroadcast v14, $0x3;
	v22 =	vld [tilespmem:s10+$0x40]  }
0x13b: {  	v13 =	vadd.f32 v28, v13;
	v18 =	vbroadcast v14, $0x4;
	v24 =	vbroadcast v14, $0x5;
	v23 =	vld [tilespmem:s10+$0x50]  }
0x13c: {  	v6 =	vadd.f32 v9, v6;
	v27 =	vbroadcast v14, $0x6;
	v28 =	vbroadcast v14, $0x7;
	v25 =	vld [tilespmem:s10+$0x60]  }
0x13d: {  	v29 =	vbroadcast v14, $0x8;
	v30 =	vbroadcast v14, $0x9;
	v7 =	vadd.f32 v7, v11;
	v9 =	vld [tilespmem:s10+$0x70]  }
0x13e: {  	v10 =	vadd.f32 v12, v10;
	v31 =	vbroadcast v14, $0xA;
	v32 =	vbroadcast v14, $0xB;
	v11 =	vld [tilespmem:s10+$0x400]  }
0x13f: {  	v33 =	vbroadcast v14, $0xC;
	v34 =	vbroadcast v14, $0xD;
	v6 =	vadd.f32 v6, v13;
	v12 =	vld [tilespmem:s10+$0x410]  }
0x140: {  	v35 =	vbroadcast v14, $0xE;
	v14 =	vbroadcast v14, $0xF;
	v7 =	vadd.f32 v10, v7;
	v13 =	vld [tilespmem:s10+$0x420]  }
0x141: {  	v10 =	vmax.f32 v26, $0.0e+00;
	v16 =	vmax.f32 v16, $0.0e+00;
	v15 =	vmax.f32 v15, $0.0e+00;
	v26 =	vld [tilespmem:s10+$0x430]  }
0x142: {  	v20 =	vmax.f32 v20, $0.0e+00;
	v22 =	vmax.f32 v22, $0.0e+00;
	v23 =	vmax.f32 v23, $0.0e+00;
	v36 =	vld [tilespmem:s10+$0x440]  }
0x143: {  	s24 =	sadd.s32 $0x2, s24;
	v25 =	vmax.f32 v25, $0.0e+00;
	v9 =	vmax.f32 v9, $0.0e+00;
	v11 =	vmax.f32 v11, $0.0e+00;
	v37 =	vld [tilespmem:s10+$0x450]  }
0x144: {  	p0 =	slt.u32 s24, $0x7E;
	v8 =	vmul.f32 v10, v8;
	v10 =	vmul.f32 v16, v19;
	v12 =	vmax.f32 v12, $0.0e+00;
	v16 =	vld [tilespmem:s10+$0x460]  }
0x145: {  	v15 =	vmul.f32 v15, v17;
	v17 =	vmul.f32 v20, v21;
	v13 =	vmax.f32 v13, $0.0e+00;
	v19 =	vld [tilespmem:s10+$0x470]  }
0x146: {  	v18 =	vmul.f32 v22, v18;
	v21 =	vmul.f32 v23, v24;
	v20 =	vld [tilespmem:s26+$0x0];
	v22 =	vmax.f32 v26, $0.0e+00  }
0x147: {  	v24 =	vmul.f32 v25, v27;
	v9 =	vmul.f32 v9, v28;
	v23 =	vld [tilespmem:s26+$0x10];
	v25 =	vmax.f32 v36, $0.0e+00  }
0x148: {  	v11 =	vmul.f32 v11, v29;
	v12 =	vmul.f32 v12, v30;
	v26 =	vld [tilespmem:s26+$0x20];
	v27 =	vmax.f32 v37, $0.0e+00  }
0x149: {  	v13 =	vmul.f32 v13, v31;
	v22 =	vmul.f32 v22, v32;
	v28 =	vld [tilespmem:s26+$0x30];
	v16 =	vmax.f32 v16, $0.0e+00  }
0x14a: {  	v25 =	vmul.f32 v25, v33;
	v27 =	vmul.f32 v27, v34;
	v29 =	vld [tilespmem:s26+$0x40];
	v19 =	vmax.f32 v19, $0.0e+00  }
0x14b: {  	v8 =	vadd.f32 v10, v8;
	v10 =	vadd.f32 v17, v15;
	v16 =	vmul.f32 v16, v35;
	v31 =	vld [tilespmem:s26+$0x50]  }
0x14c: {  	v15 =	vadd.f32 v21, v18;
	v9 =	vadd.f32 v9, v24;
	v14 =	vmul.f32 v19, v14;
	v32 =	vld [tilespmem:s26+$0x60]  }
0x14d: {  	v11 =	vadd.f32 v12, v11;
	v33 =	vbroadcast v5, $0x0;
	v12 =	vadd.f32 v22, v13;
	v21 =	vld [tilespmem:s26+$0x70]  }
0x14e: {  	v35 =	vbroadcast v5, $0x1;
	v13 =	vadd.f32 v27, v25;
	v14 =	vadd.f32 v14, v16;
	v22 =	vld [tilespmem:s26+$0x400]  }
0x14f: {  	v8 =	vadd.f32 v10, v8;
	v36 =	vbroadcast v5, $0x2;
	v10 =	vadd.f32 v9, v15;
	v24 =	vld [tilespmem:s26+$0x410]  }
0x150: {  	v37 =	vbroadcast v5, $0x3;
	v11 =	vadd.f32 v12, v11;
	v12 =	vadd.f32 v14, v13;
	v25 =	vld [tilespmem:s26+$0x420]  }
0x151: {  	v34 =	vmax.f32 v20, $0.0e+00;
	v13 =	vbroadcast v5, $0x4;
	v14 =	vbroadcast v5, $0x5;
	v20 =	vld [tilespmem:s26+$0x430]  }
0x152: {  	v9 =	vbroadcast v5, $0x6;
	v10 =	vadd.f32 v10, v8;
	v12 =	vadd.f32 v12, v11;
	v38 =	vld [tilespmem:s26+$0x440]  }
0x153: {  	v19 =	vbroadcast v5, $0x7;
	v23 =	vmax.f32 v23, $0.0e+00;
	v11 =	vbroadcast v5, $0x8;
	v39 =	vld [tilespmem:s26+$0x450]  }
0x154: {  	v15 =	vbroadcast v5, $0x9;
	v8 =	vbroadcast v5, $0xA;
	v18 =	vadd.f32 v12, v10;
	v40 =	vld [tilespmem:s26+$0x460]  }
0x155: {  	v41 =	vmax.f32 v26, $0.0e+00;
	v16 =	vbroadcast v5, $0xB;
	v10 =	vbroadcast v5, $0xC;
	v42 =	vld [tilespmem:s26+$0x470]  }
0x156: {  	v17 =	vbroadcast v5, $0xD;
	v43 =	vmax.f32 v28, $0.0e+00;
	v12 =	vbroadcast v5, $0xE;
	[tilespmem:s22+$0x0] =	vst v18  }
0x157: {  	v30 =	vmax.f32 v29, $0.0e+00;
	v31 =	vmax.f32 v31, $0.0e+00;
	v18 =	vbroadcast v5, $0xF  }
.Ltmp2:
0x158: {  	v28 =	vmax.f32 v32, $0.0e+00;
	v29 =	vmax.f32 v21, $0.0e+00;
	v26 =	vmax.f32 v22, $0.0e+00;
	(pc) =	sbr.rel @p0 .LBB2_7-.Ltmp2, $4  }
0x159: {  	v27 =	vmax.f32 v24, $0.0e+00;
	v24 =	vmax.f32 v25, $0.0e+00;
	v25 =	vmax.f32 v20, $0.0e+00  }
0x15a: {  	v21 =	vmax.f32 v38, $0.0e+00;
	v22 =	vmax.f32 v39, $0.0e+00;
	v20 =	vmax.f32 v40, $0.0e+00  }
0x15b: {  	v34 =	vmul.f32 v34, v33;
	v35 =	vmul.f32 v23, v35;
	v23 =	vmax.f32 v42, $0.0e+00  }
0x15c: {  	s25 =	sadd.s32 $0x200, s25;
	v33 =	vmul.f32 v43, v37;
	v32 =	vmul.f32 v41, v36;
	v5 =	vadd.f32 v7, v6  }
0x15d: {  	v6 =	vmul.f32 v30, v13  }
0x15e: {  	v7 =	vmul.f32 v31, v14;
	v9 =	vmul.f32 v28, v9  }
0x15f: {  	v57 =	vmul.f32 v29, v19;
	v11 =	vmul.f32 v26, v11  }
0x160: {  	v15 =	vmul.f32 v27, v15;
	v8 =	vmul.f32 v24, v8  }
0x161: {  	v58 =	vadd.f32 v35, v34;
	v16 =	vmul.f32 v25, v16;
	v60 =	vmul.f32 v22, v17  }
0x162: {  	v12 =	vmul.f32 v20, v12;
	v61 =	vmul.f32 v23, v18;
	v59 =	vadd.f32 v33, v32  }
0x163: {  	v6 =	vadd.f32 v7, v6;
	v7 =	vmul.f32 v21, v10;
	v9 =	vadd.f32 v57, v9  }
0x164: {  	v11 =	vadd.f32 v15, v11;
	v8 =	vadd.f32 v16, v8  }
0x165: {  	v62 =	vadd.f32 v61, v12;
	v7 =	vadd.f32 v60, v7  }
0x166: {  	v63 =	vadd.f32 v59, v58;
	v6 =	vadd.f32 v9, v6  }
0x167: {  	v8 =	vadd.f32 v8, v11;
	v7 =	vadd.f32 v62, v7;
	_ =	sdelay $0x1  }
0x168: {  	v6 =	vadd.f32 v6, v63;
	v7 =	vadd.f32 v7, v8;
	_ =	sdelay $0x1  }
0x169: {  	p0 =	seq.s32 s18, $0x9;
	v6 =	vadd.f32 v7, v6  }
.Ltmp3:
0x16a: {  	[tilespmem:s20+$0xFFFFFFF0] =	vst v5;
	(pc) =	sbr.rel @p0 .LBB2_10-.Ltmp3, $4  }
0x16b: {  	[tilespmem:s23+$0xFFFFFFF0] =	vst v6  }
0x16c: {  	_ =	swait.ge [sflag:s16], $0x8000  }
0x16d: {  	[sflag:s16] =	ssyncset.done $0x0  }
0x16e: {  	[sflag:s16] =	ssyncadd.s32 $0xFFFF8000  }
0x16f: {  	s10 =	ssub.s32 $0x880, s19  }
0x170: {  	v5 =	vld [tilespmem:s10+$0x0];
	_ =	sdelay $0x4  }
0x171: {  	v6 =	vshll.u32 v5, $0x1  }
0x172: {  	v5 =	vand.u32 $0x7, v5;
	v6 =	vand.u32 $0xFFFFFFF0, v6  }
0x173: {  	v5 =	vor.u32 v5, v6  }
0x174: {  	v6 =	vperm.xlane v5, v0;
	_ =	sdelay $0x1  }
0x175: {  	v5 =	vperm.xlane v5, v2;
	v6 =	vadd.s32 v1, v6;
	_ =	sdelay $0x1  }
0x176: {  	v5 =	vadd.s32 v1, v5;
	_ =	sdelay $0x1  }
0x177: {  	s21 =	simm.s32 $0xC00  }
0x178: {  	[tilespmem:s21], [sflag:$0x1] =	stream.indirect_vreg.gather [hbm4b:s0+s5], $0x80, v6, vm0, $0xb8;
	[tilespmem:$0x11E00] =	vst v63  }
0x179: {  	s22 =	simm.s32 $0x1400;
	s23 =	ssub.s32 $0x890, s19  }
0x17a: {  	[tilespmem:s22], [sflag:$0x1] =	stream.indirect_vreg.gather [hbm4b:s0+s5], $0x80, v5, vm0, $0xb8;
	[tilespmem:$0x11E00] =	vst v63  }
0x17b: {  	v5 =	vld [tilespmem:s23+$0x0];
	_ =	sdelay $0x4  }
0x17c: {  	v6 =	vshll.u32 v5, $0x1  }
0x17d: {  	v5 =	vand.u32 $0x7, v5;
	v6 =	vand.u32 $0xFFFFFFF0, v6  }
0x17e: {  	v5 =	vor.u32 v5, v6  }
0x17f: {  	v6 =	vperm.xlane v5, v0;
	_ =	sdelay $0x1  }
0x180: {  	v5 =	vperm.xlane v5, v2;
	v6 =	vadd.s32 v1, v6;
	_ =	sdelay $0x1  }
0x181: {  	v5 =	vadd.s32 v1, v5;
	_ =	sdelay $0x1  }
0x182: {  	s24 =	simm.s32 $0x1C00  }
0x183: {  	[tilespmem:s24], [sflag:$0x1] =	stream.indirect_vreg.gather [hbm4b:s0+s5], $0x80, v6, vm0, $0xb8;
	[tilespmem:$0x11E00] =	vst v63  }
0x184: {  	s25 =	simm.s32 $0x2400;
	s26 =	ssub.s32 $0x8A0, s19  }
0x185: {  	[tilespmem:s25], [sflag:$0x1] =	stream.indirect_vreg.gather [hbm4b:s0+s5], $0x80, v5, vm0, $0xb8;
	[tilespmem:$0x11E00] =	vst v63  }
0x186: {  	v5 =	vld [tilespmem:s26+$0x0];
	_ =	sdelay $0x4  }
0x187: {  	v6 =	vshll.u32 v5, $0x1  }
0x188: {  	v5 =	vand.u32 $0x7, v5;
	v6 =	vand.u32 $0xFFFFFFF0, v6  }
0x189: {  	v5 =	vor.u32 v5, v6  }
0x18a: {  	v6 =	vperm.xlane v5, v0;
	_ =	sdelay $0x1  }
0x18b: {  	v5 =	vperm.xlane v5, v2;
	v6 =	vadd.s32 v1, v6;
	_ =	sdelay $0x1  }
0x18c: {  	v5 =	vadd.s32 v1, v5;
	_ =	sdelay $0x1  }
0x18d: {  	s31 =	simm.s32 $0x2C00  }
0x18e: {  	[tilespmem:s31], [sflag:$0x1] =	stream.indirect_vreg.gather [hbm4b:s0+s5], $0x80, v6, vm0, $0xb8;
	[tilespmem:$0x11E00] =	vst v63  }
0x18f: {  	s20 =	simm.s32 $0x3400;
	s21 =	ssub.s32 $0x8B0, s19  }
0x190: {  	[tilespmem:s20], [sflag:$0x1] =	stream.indirect_vreg.gather [hbm4b:s0+s5], $0x80, v5, vm0, $0xb8;
	[tilespmem:$0x11E00] =	vst v63  }
0x191: {  	v5 =	vld [tilespmem:s21+$0x0];
	_ =	sdelay $0x4  }
0x192: {  	v6 =	vshll.u32 v5, $0x1  }
0x193: {  	v5 =	vand.u32 $0x7, v5;
	v6 =	vand.u32 $0xFFFFFFF0, v6  }
0x194: {  	v5 =	vor.u32 v5, v6  }
0x195: {  	v6 =	vperm.xlane v5, v0;
	_ =	sdelay $0x1  }
0x196: {  	v5 =	vperm.xlane v5, v2;
	v6 =	vadd.s32 v1, v6;
	_ =	sdelay $0x1  }
0x197: {  	v5 =	vadd.s32 v1, v5;
	_ =	sdelay $0x1  }
0x198: {  	s22 =	simm.s32 $0x3C00  }
0x199: {  	[tilespmem:s22], [sflag:$0x1] =	stream.indirect_vreg.gather [hbm4b:s0+s5], $0x80, v6, vm0, $0xb8;
	[tilespmem:$0x11E00] =	vst v63  }
0x19a: {  	s23 =	simm.s32 $0x4400;
	s24 =	ssub.s32 $0x8C0, s19  }
0x19b: {  	[tilespmem:s23], [sflag:$0x1] =	stream.indirect_vreg.gather [hbm4b:s0+s5], $0x80, v5, vm0, $0xb8;
	[tilespmem:$0x11E00] =	vst v63  }
0x19c: {  	v5 =	vld [tilespmem:s24+$0x0];
	_ =	sdelay $0x4  }
0x19d: {  	v6 =	vshll.u32 v5, $0x1  }
0x19e: {  	v5 =	vand.u32 $0x7, v5;
	v6 =	vand.u32 $0xFFFFFFF0, v6  }
0x19f: {  	v5 =	vor.u32 v5, v6  }
0x1a0: {  	v6 =	vperm.xlane v5, v0;
	_ =	sdelay $0x1  }
0x1a1: {  	v5 =	vperm.xlane v5, v2;
	v6 =	vadd.s32 v1, v6;
	_ =	sdelay $0x1  }
0x1a2: {  	v5 =	vadd.s32 v1, v5;
	_ =	sdelay $0x1  }
0x1a3: {  	s25 =	simm.s32 $0x4C00  }
0x1a4: {  	[tilespmem:s25], [sflag:$0x1] =	stream.indirect_vreg.gather [hbm4b:s0+s5], $0x80, v6, vm0, $0xb8;
	[tilespmem:$0x11E00] =	vst v63  }
0x1a5: {  	s26 =	simm.s32 $0x5400;
	s31 =	ssub.s32 $0x8D0, s19  }
0x1a6: {  	[tilespmem:s26], [sflag:$0x1] =	stream.indirect_vreg.gather [hbm4b:s0+s5], $0x80, v5, vm0, $0xb8;
	[tilespmem:$0x11E00] =	vst v63  }
0x1a7: {  	v5 =	vld [tilespmem:s31+$0x0];
	_ =	sdelay $0x4  }
0x1a8: {  	v6 =	vshll.u32 v5, $0x1  }
0x1a9: {  	v5 =	vand.u32 $0x7, v5;
	v6 =	vand.u32 $0xFFFFFFF0, v6  }
0x1aa: {  	v5 =	vor.u32 v5, v6  }
0x1ab: {  	v6 =	vperm.xlane v5, v0;
	_ =	sdelay $0x1  }
0x1ac: {  	v5 =	vperm.xlane v5, v2;
	v6 =	vadd.s32 v1, v6;
	_ =	sdelay $0x1  }
0x1ad: {  	v5 =	vadd.s32 v1, v5;
	_ =	sdelay $0x1  }
0x1ae: {  	s20 =	simm.s32 $0x5C00  }
0x1af: {  	[tilespmem:s20], [sflag:$0x1] =	stream.indirect_vreg.gather [hbm4b:s0+s5], $0x80, v6, vm0, $0xb8;
	[tilespmem:$0x11E00] =	vst v63  }
0x1b0: {  	s21 =	simm.s32 $0x6400;
	s22 =	ssub.s32 $0x8E0, s19  }
0x1b1: {  	[tilespmem:s21], [sflag:$0x1] =	stream.indirect_vreg.gather [hbm4b:s0+s5], $0x80, v5, vm0, $0xb8;
	[tilespmem:$0x11E00] =	vst v63  }
0x1b2: {  	v5 =	vld [tilespmem:s22+$0x0];
	_ =	sdelay $0x4  }
0x1b3: {  	v6 =	vshll.u32 v5, $0x1  }
0x1b4: {  	v5 =	vand.u32 $0x7, v5;
	v6 =	vand.u32 $0xFFFFFFF0, v6  }
0x1b5: {  	v5 =	vor.u32 v5, v6  }
0x1b6: {  	v6 =	vperm.xlane v5, v0;
	_ =	sdelay $0x1  }
0x1b7: {  	v5 =	vperm.xlane v5, v2;
	v6 =	vadd.s32 v1, v6;
	_ =	sdelay $0x1  }
0x1b8: {  	v5 =	vadd.s32 v1, v5;
	_ =	sdelay $0x1  }
0x1b9: {  	s23 =	simm.s32 $0x6C00  }
0x1ba: {  	[tilespmem:s23], [sflag:$0x1] =	stream.indirect_vreg.gather [hbm4b:s0+s5], $0x80, v6, vm0, $0xb8;
	[tilespmem:$0x11E00] =	vst v63  }
0x1bb: {  	s24 =	simm.s32 $0x7400;
	s25 =	ssub.s32 $0x8F0, s19  }
0x1bc: {  	[tilespmem:s24], [sflag:$0x1] =	stream.indirect_vreg.gather [hbm4b:s0+s5], $0x80, v5, vm0, $0xb8;
	[tilespmem:$0x11E00] =	vst v63  }
0x1bd: {  	v5 =	vld [tilespmem:s25+$0x0];
	_ =	sdelay $0x4  }
0x1be: {  	v6 =	vshll.u32 v5, $0x1  }
0x1bf: {  	v5 =	vand.u32 $0x7, v5;
	v6 =	vand.u32 $0xFFFFFFF0, v6  }
0x1c0: {  	v5 =	vor.u32 v5, v6  }
0x1c1: {  	v6 =	vperm.xlane v5, v0;
	_ =	sdelay $0x1  }
0x1c2: {  	v5 =	vperm.xlane v5, v2;
	v6 =	vadd.s32 v1, v6;
	_ =	sdelay $0x1  }
0x1c3: {  	v5 =	vadd.s32 v1, v5;
	_ =	sdelay $0x1  }
0x1c4: {  	s26 =	simm.s32 $0x7C00  }
0x1c5: {  	[tilespmem:s26], [sflag:$0x1] =	stream.indirect_vreg.gather [hbm4b:s0+s5], $0x80, v6, vm0, $0xb8;
	[tilespmem:$0x11E00] =	vst v63  }
0x1c6: {  	s31 =	simm.s32 $0x8400  }
0x1c7: {  	[tilespmem:s31], [sflag:$0x1] =	stream.indirect_vreg.gather [hbm4b:s0+s5], $0x80, v5, vm0, $0xb8;
	[tilespmem:$0x11E00] =	vst v63  }
.LBB2_10:
0x1c8: {  	s10 =	simm.s32 $0x0  }
0x1c9: {  	s19 =	simm.s32 $0x10C10;
	s20 =	simm.s32 $0x80;
	s10 =	sand.u32 $0x7800, s10  }
0x1ca: {  	v5 =	vld [tilespmem:s19+$0x0];
	s20 =	sand.u32 $0x380, s20;
	s10 =	sadd.s32 $0x8C00, s10  }
0x1cb: {  	s20 =	sor.u32 s20, s10  }
0x1cc: {  	v6 =	vld [tilespmem:s20+$0x0]  }
0x1cd: {  	v7 =	vld [tilespmem:s20+$0x10]  }
0x1ce: {  	v8 =	vld [tilespmem:s20+$0x20]  }
0x1cf: {  	v11 =	vld [tilespmem:s20+$0x30];
	v9 =	vbroadcast v5, $0x0;
	v10 =	vbroadcast v5, $0x1  }
0x1d0: {  	v14 =	vld [tilespmem:s20+$0x40];
	v12 =	vbroadcast v5, $0x2;
	v13 =	vbroadcast v5, $0x3  }
0x1d1: {  	v16 =	vld [tilespmem:s20+$0x50];
	v15 =	vbroadcast v5, $0x4;
	v17 =	vbroadcast v5, $0x5  }
0x1d2: {  	v19 =	vld [tilespmem:s20+$0x60];
	v18 =	vbroadcast v5, $0x6;
	v20 =	vbroadcast v5, $0x7  }
0x1d3: {  	v22 =	vld [tilespmem:s20+$0x70];
	v21 =	vbroadcast v5, $0x8;
	v23 =	vbroadcast v5, $0x9  }
0x1d4: {  	v25 =	vld [tilespmem:s20+$0x400];
	v24 =	vbroadcast v5, $0xA;
	v26 =	vbroadcast v5, $0xB  }
0x1d5: {  	v28 =	vld [tilespmem:s20+$0x410];
	v27 =	vbroadcast v5, $0xC;
	v29 =	vbroadcast v5, $0xD  }
0x1d6: {  	v31 =	vld [tilespmem:s20+$0x420];
	v30 =	vbroadcast v5, $0xE;
	v5 =	vbroadcast v5, $0xF  }
0x1d7: {  	s21 =	simm.s32 $0x0;
	v32 =	vld [tilespmem:s20+$0x430];
	v6 =	vmax.f32 v6, $0.0e+00;
	v7 =	vmax.f32 v7, $0.0e+00;
	v8 =	vmax.f32 v8, $0.0e+00  }
0x1d8: {  	s21 =	sand.u32 $0x300, s21;
	v33 =	vld [tilespmem:s20+$0x440];
	v11 =	vmax.f32 v11, $0.0e+00;
	v14 =	vmax.f32 v14, $0.0e+00;
	v16 =	vmax.f32 v16, $0.0e+00  }
0x1d9: {  	s10 =	sor.u32 s21, s10;
	v34 =	vld [tilespmem:s20+$0x450];
	v19 =	vmax.f32 v19, $0.0e+00;
	v22 =	vmax.f32 v22, $0.0e+00;
	v25 =	vmax.f32 v25, $0.0e+00  }
0x1da: {  	v50 =	vld [tilespmem:s10+$0x450];
	v6 =	vmul.f32 v6, v9;
	v7 =	vmul.f32 v7, v10;
	v9 =	vmax.f32 v28, $0.0e+00  }
0x1db: {  	v8 =	vmul.f32 v8, v12;
	v11 =	vmul.f32 v11, v13;
	v12 =	vmax.f32 v31, $0.0e+00  }
0x1dc: {  	v14 =	vmul.f32 v14, v15;
	v15 =	vmul.f32 v16, v17;
	v17 =	vmax.f32 v32, $0.0e+00  }
0x1dd: {  	v51 =	vld [tilespmem:s10+$0x460];
	v18 =	vmul.f32 v19, v18;
	v19 =	vmul.f32 v22, v20;
	v22 =	vmax.f32 v33, $0.0e+00  }
0x1de: {  	v16 =	vld [tilespmem:s19+$0xFFFFFFF0];
	v21 =	vmul.f32 v25, v21;
	v25 =	vmax.f32 v34, $0.0e+00;
	v9 =	vmul.f32 v9, v23  }
0x1df: {  	v10 =	vld [tilespmem:s20+$0x460];
	v32 =	vmax.f32 v50, $0.0e+00;
	v12 =	vmul.f32 v12, v24;
	v17 =	vmul.f32 v17, v26  }
0x1e0: {  	v13 =	vld [tilespmem:s20+$0x470];
	v22 =	vmul.f32 v22, v27;
	v6 =	vadd.f32 v7, v6;
	v8 =	vadd.f32 v11, v8  }
0x1e1: {  	v23 =	vld [tilespmem:s10+$0x10];
	v25 =	vmul.f32 v25, v29;
	v11 =	vadd.f32 v15, v14;
	v14 =	vadd.f32 v19, v18  }
0x1e2: {  	v33 =	vmax.f32 v51, $0.0e+00;
	v26 =	vld [tilespmem:s10+$0x30];
	v9 =	vadd.f32 v9, v21;
	v12 =	vadd.f32 v17, v12  }
0x1e3: {  	v29 =	vld [tilespmem:s10+$0x440];
	v19 =	vadd.f32 v25, v22;
	v15 =	vbroadcast v16, $0x0;
	v17 =	vbroadcast v16, $0x1  }
0x1e4: {  	v7 =	vld [tilespmem:s10+$0x40];
	v11 =	vadd.f32 v14, v11;
	v14 =	vbroadcast v16, $0x3;
	v25 =	vbroadcast v16, $0x5  }
0x1e5: {  	v18 =	vld [tilespmem:s10+$0x60];
	v6 =	vadd.f32 v8, v6;
	v27 =	vbroadcast v16, $0x6;
	v28 =	vbroadcast v16, $0x8  }
0x1e6: {  	v21 =	vld [tilespmem:s10+$0x70];
	v10 =	vmax.f32 v10, $0.0e+00;
	v31 =	vbroadcast v16, $0xA;
	v52 =	vbroadcast v16, $0xC  }
0x1e7: {  	v8 =	vld [tilespmem:s10+$0x400];
	v13 =	vmax.f32 v13, $0.0e+00;
	v35 =	vbroadcast v16, $0xD;
	v37 =	vbroadcast v16, $0xE  }
0x1e8: {  	v20 =	vld [tilespmem:s10+$0x0];
	v9 =	vadd.f32 v12, v9;
	v10 =	vmul.f32 v10, v30;
	v5 =	vmul.f32 v13, v5  }
0x1e9: {  	v13 =	vld [tilespmem:s10+$0x50];
	v6 =	vadd.f32 v11, v6;
	v23 =	vmax.f32 v23, $0.0e+00;
	v30 =	vbroadcast v16, $0x9  }
0x1ea: {  	v26 =	vmax.f32 v26, $0.0e+00;
	v29 =	vmax.f32 v29, $0.0e+00;
	v7 =	vmax.f32 v7, $0.0e+00  }
0x1eb: {  	v22 =	vld [tilespmem:s10+$0x420];
	v18 =	vmax.f32 v18, $0.0e+00;
	v17 =	vmul.f32 v23, v17;
	v5 =	vadd.f32 v5, v10  }
0x1ec: {  	v24 =	vld [tilespmem:s10+$0x20];
	v10 =	vbroadcast v16, $0x2;
	v21 =	vmax.f32 v21, $0.0e+00;
	v8 =	vmax.f32 v8, $0.0e+00  }
0x1ed: {  	v11 =	vld [tilespmem:s10+$0x430];
	v5 =	vadd.f32 v5, v19;
	v19 =	vmax.f32 v20, $0.0e+00;
	v20 =	vbroadcast v16, $0x4  }
0x1ee: {  	v8 =	vmul.f32 v8, v28;
	v13 =	vmax.f32 v13, $0.0e+00;
	v15 =	vmul.f32 v19, v15  }
0x1ef: {  	v5 =	vadd.f32 v5, v9;
	v9 =	vbroadcast v16, $0x7;
	v7 =	vmul.f32 v7, v20  }
0x1f0: {  	v36 =	vld [tilespmem:s10+$0x470];
	v22 =	vmax.f32 v22, $0.0e+00;
	v13 =	vmul.f32 v13, v25;
	v20 =	vmul.f32 v32, v35  }
0x1f1: {  	v12 =	vld [tilespmem:s10+$0x410];
	v5 =	vadd.f32 v5, v6;
	v6 =	vmax.f32 v24, $0.0e+00;
	v24 =	vbroadcast v16, $0xB  }
0x1f2: {  	s21 =	simm.s32 $0x10C30;
	v11 =	vmax.f32 v11, $0.0e+00;
	v16 =	vbroadcast v16, $0xF;
	v9 =	vmul.f32 v21, v9  }
0x1f3: {  	s31 =	simm.s32 $0x200;
	v6 =	vmul.f32 v6, v10;
	v10 =	vmul.f32 v26, v14;
	v14 =	vadd.f32 v17, v15;
	v15 =	vld [tilespmem:s21+$0x0]  }
0x1f4: {  	s20 =	simm.s32 $0x180;
	s10 =	sand.u32 $0x7800, s31;
	v7 =	vadd.f32 v13, v7;
	v13 =	vmul.f32 v22, v31;
	v21 =	vmul.f32 v33, v37  }
0x1f5: {  	s22 =	sand.u32 $0x380, s20;
	s10 =	sadd.s32 $0x8C00, s10;
	v19 =	vmax.f32 v36, $0.0e+00;
	v17 =	vmul.f32 v18, v27;
	v18 =	vmul.f32 v29, v52  }
0x1f6: {  	s22 =	sor.u32 s22, s10;
	v12 =	vmax.f32 v12, $0.0e+00;
	v11 =	vmul.f32 v11, v24;
	v16 =	vmul.f32 v19, v16  }
0x1f7: {  	v58 =	vld [tilespmem:s22+$0x450];
	v6 =	vadd.f32 v10, v6;
	v10 =	vmul.f32 v12, v30;
	v9 =	vadd.f32 v9, v17  }
0x1f8: {  	v25 =	vld [tilespmem:s22+$0x50];
	v11 =	vadd.f32 v11, v13;
	v13 =	vbroadcast v15, $0x0;
	v19 =	vbroadcast v15, $0x1  }
0x1f9: {  	v22 =	vld [tilespmem:s22+$0x30];
	v18 =	vadd.f32 v20, v18;
	v20 =	vbroadcast v15, $0x2;
	v23 =	vbroadcast v15, $0x3  }
0x1fa: {  	v24 =	vld [tilespmem:s22+$0x40];
	v16 =	vadd.f32 v16, v21;
	v21 =	vbroadcast v15, $0x4;
	v26 =	vbroadcast v15, $0x5  }
0x1fb: {  	v12 =	vld [tilespmem:s22+$0x0];
	v8 =	vadd.f32 v10, v8;
	v27 =	vbroadcast v15, $0x6;
	v28 =	vbroadcast v15, $0x7  }
0x1fc: {  	v17 =	vld [tilespmem:s22+$0x10];
	v6 =	vadd.f32 v6, v14;
	v29 =	vbroadcast v15, $0x8;
	v30 =	vbroadcast v15, $0x9  }
0x1fd: {  	s23 =	simm.s32 $0x100;
	v10 =	vld [tilespmem:s22+$0x20];
	v7 =	vadd.f32 v9, v7;
	v31 =	vbroadcast v15, $0xA;
	v53 =	vbroadcast v15, $0xB  }
0x1fe: {  	s23 =	sand.u32 $0x300, s23;
	v14 =	vld [tilespmem:s22+$0x60];
	v16 =	vadd.f32 v16, v18;
	v54 =	vbroadcast v15, $0xC;
	v8 =	vadd.f32 v11, v8  }
0x1ff: {  	s10 =	sor.u32 s23, s10;
	v9 =	vld [tilespmem:s22+$0x70];
	v55 =	vbroadcast v15, $0xD;
	v56 =	vbroadcast v15, $0xE  }
0x200: {  	v62 =	vld [tilespmem:s10+$0x410];
	v15 =	vbroadcast v15, $0xF;
	v6 =	vadd.f32 v7, v6;
	v57 =	vadd.f32 v16, v8  }
0x201: {  	v18 =	vld [tilespmem:s22+$0x410];
	v8 =	vmax.f32 v12, $0.0e+00;
	v12 =	vmax.f32 v17, $0.0e+00;
	v17 =	vmax.f32 v22, $0.0e+00  }
0x202: {  	v11 =	vld [tilespmem:s22+$0x400];
	v22 =	vmax.f32 v24, $0.0e+00;
	v24 =	vmax.f32 v25, $0.0e+00;
	v10 =	vmax.f32 v10, $0.0e+00  }
0x203: {  	v7 =	vld [tilespmem:s22+$0x420];
	v14 =	vmax.f32 v14, $0.0e+00;
	v8 =	vmul.f32 v8, v13;
	v12 =	vmul.f32 v12, v19  }
0x204: {  	v16 =	vld [tilespmem:s22+$0x430];
	v9 =	vmax.f32 v9, $0.0e+00;
	v17 =	vmul.f32 v17, v23;
	v21 =	vmul.f32 v22, v21  }
0x205: {  	v25 =	vld [tilespmem:s22+$0x440];
	v22 =	vmul.f32 v24, v26;
	v26 =	vmax.f32 v58, $0.0e+00;
	v10 =	vmul.f32 v10, v20  }
0x206: {  	v19 =	vld [tilespmem:s22+$0x470];
	v13 =	vmax.f32 v18, $0.0e+00;
	v14 =	vmul.f32 v14, v27;
	v9 =	vmul.f32 v9, v28  }
0x207: {  	[tilespmem:s19+$0x0] =	vst v5;
	v23 =	vld [tilespmem:s10+$0x0];
	v26 =	vmul.f32 v26, v55;
	v5 =	vadd.f32 v57, v6;
	v11 =	vmax.f32 v11, $0.0e+00  }
0x208: {  	v20 =	vld [tilespmem:s21+$0xFFFFFFF0];
	v7 =	vmax.f32 v7, $0.0e+00;
	v13 =	vmul.f32 v13, v30;
	v8 =	vadd.f32 v12, v8  }
0x209: {  	v18 =	vld [tilespmem:s22+$0x460];
	v11 =	vmul.f32 v11, v29;
	v7 =	vmul.f32 v7, v31;
	v10 =	vadd.f32 v17, v10  }
0x20a: {  	v27 =	vld [tilespmem:s10+$0x20];
	v9 =	vadd.f32 v9, v14;
	v16 =	vmax.f32 v16, $0.0e+00;
	v24 =	vmax.f32 v25, $0.0e+00  }
0x20b: {  	v28 =	vld [tilespmem:s10+$0x30];
	v16 =	vmul.f32 v16, v53;
	v24 =	vmul.f32 v24, v54;
	v19 =	vmax.f32 v19, $0.0e+00  }
0x20c: {  	v63 =	vld [tilespmem:s10+$0x420];
	v11 =	vadd.f32 v13, v11;
	v8 =	vadd.f32 v10, v8;
	v12 =	vmul.f32 v19, v15  }
0x20d: {  	v39 =	vld [tilespmem:s10+$0x430];
	v23 =	vmax.f32 v23, $0.0e+00;
	v59 =	vbroadcast v20, $0x0;
	v60 =	vbroadcast v20, $0x1  }
0x20e: {  	v29 =	vld [tilespmem:s10+$0x40];
	v18 =	vmax.f32 v18, $0.0e+00;
	v61 =	vbroadcast v20, $0x2;
	v38 =	vbroadcast v20, $0x3  }
0x20f: {  	v31 =	vld [tilespmem:s10+$0x50];
	v15 =	vadd.f32 v22, v21;
	v14 =	vbroadcast v20, $0x5;
	v19 =	vbroadcast v20, $0x7  }
0x210: {  	v45 =	vld [tilespmem:s10+$0x470];
	v44 =	vmax.f32 v27, $0.0e+00;
	v46 =	vmax.f32 v28, $0.0e+00;
	v17 =	vbroadcast v20, $0xD  }
0x211: {  	v25 =	vld [tilespmem:s10+$0x10];
	v27 =	vmax.f32 v62, $0.0e+00;
	v18 =	vmul.f32 v18, v56;
	v7 =	vadd.f32 v16, v7  }
0x212: {  	v40 =	vld [tilespmem:s10+$0x440];
	v13 =	vadd.f32 v26, v24;
	v16 =	vbroadcast v20, $0xB;
	v10 =	vadd.f32 v9, v15  }
0x213: {  	v42 =	vld [tilespmem:s10+$0x450];
	v9 =	vbroadcast v20, $0x6;
	v15 =	vbroadcast v20, $0x9;
	v30 =	vmax.f32 v29, $0.0e+00  }
0x214: {  	v21 =	vld [tilespmem:s10+$0x60];
	v31 =	vmax.f32 v31, $0.0e+00;
	v34 =	vmul.f32 v23, v59;
	v12 =	vadd.f32 v12, v18  }
0x215: {  	v22 =	vld [tilespmem:s10+$0x70];
	v23 =	vmax.f32 v45, $0.0e+00;
	v32 =	vmul.f32 v44, v61;
	v33 =	vmul.f32 v46, v38  }
0x216: {  	v24 =	vld [tilespmem:s10+$0x400];
	v7 =	vadd.f32 v7, v11;
	v41 =	vmax.f32 v25, $0.0e+00;
	v11 =	vadd.f32 v12, v13  }
0x217: {  	v43 =	vld [tilespmem:s10+$0x460];
	v18 =	vbroadcast v20, $0xF;
	v25 =	vmax.f32 v39, $0.0e+00;
	v10 =	vadd.f32 v10, v8  }
0x218: {  	v8 =	vbroadcast v20, $0xA;
	v35 =	vmul.f32 v41, v60;
	v7 =	vadd.f32 v11, v7  }
0x219: {  	v13 =	vbroadcast v20, $0x4;
	v12 =	vbroadcast v20, $0xE;
	v28 =	vmax.f32 v21, $0.0e+00  }
0x21a: {  	v29 =	vmax.f32 v22, $0.0e+00;
	v21 =	vmax.f32 v40, $0.0e+00;
	v7 =	vadd.f32 v7, v10  }
0x21b: {  	v22 =	vmax.f32 v42, $0.0e+00;
	v26 =	vmax.f32 v24, $0.0e+00;
	v24 =	vmax.f32 v63, $0.0e+00  }
0x21c: {  	s24 =	simm.s32 $0x400;
	s23 =	simm.s32 $0x2;
	s22 =	simm.s32 $0x10C30;
	v11 =	vbroadcast v20, $0x8;
	v10 =	vbroadcast v20, $0xC;
	v20 =	vmax.f32 v43, $0.0e+00;
	[tilespmem:s21+$0x0] =	vst v7  }
.LBB2_11:
0x21d: {  	s10 =	sand.u32 $0x7800, s24;
	v6 =	vmul.f32 v30, v13;
	v7 =	vmul.f32 v31, v14;
	v13 =	vadd.f32 v35, v34;
	s20 =	sadd.s32 $0x100, s20;
	s21 =	sadd.s32 $0x20, s21  }
0x21e: {  	v9 =	vmul.f32 v28, v9;
	v19 =	vmul.f32 v29, v19;
	s25 =	sadd.s32 $0xFFFFFF80, s20;
	s26 =	sadd.s32 $0x8C00, s10;
	v14 =	vld [tilespmem:s21+$0x0];
	s10 =	sand.u32 $0x380, s20;
	v28 =	vadd.f32 v33, v32;
	[tilespmem:s19+$0xFFFFFFF0] =	vst v5  }
0x21f: {  	v11 =	vmul.f32 v26, v11;
	v15 =	vmul.f32 v27, v15;
	s19 =	smov.u32 s22;
	v5 =	vld [tilespmem:s21+$0xFFFFFFF0];
	s25 =	sand.u32 $0x300, s25;
	s10 =	sor.u32 s10, s26;
	v6 =	vadd.f32 v7, v6  }
0x220: {  	s22 =	smov.u32 s21;
	v7 =	vmul.f32 v24, v8;
	v8 =	vmul.f32 v25, v16;
	v9 =	vadd.f32 v19, v9;
	s25 =	sor.u32 s25, s26;
	v26 =	vld [tilespmem:s10+$0x0]  }
0x221: {  	v10 =	vmul.f32 v21, v10;
	v17 =	vmul.f32 v22, v17;
	v11 =	vadd.f32 v15, v11;
	v16 =	vld [tilespmem:s10+$0x10]  }
0x222: {  	v12 =	vmul.f32 v20, v12;
	v18 =	vmul.f32 v23, v18;
	v7 =	vadd.f32 v8, v7;
	v15 =	vld [tilespmem:s10+$0x20]  }
0x223: {  	v10 =	vadd.f32 v17, v10;
	v8 =	vbroadcast v14, $0x0;
	v19 =	vbroadcast v14, $0x1;
	v20 =	vld [tilespmem:s10+$0x30]  }
0x224: {  	v12 =	vadd.f32 v18, v12;
	v17 =	vbroadcast v14, $0x2;
	v21 =	vbroadcast v14, $0x3;
	v22 =	vld [tilespmem:s10+$0x40]  }
0x225: {  	v13 =	vadd.f32 v28, v13;
	v18 =	vbroadcast v14, $0x4;
	v24 =	vbroadcast v14, $0x5;
	v23 =	vld [tilespmem:s10+$0x50]  }
0x226: {  	v6 =	vadd.f32 v9, v6;
	v27 =	vbroadcast v14, $0x6;
	v28 =	vbroadcast v14, $0x7;
	v25 =	vld [tilespmem:s10+$0x60]  }
0x227: {  	v29 =	vbroadcast v14, $0x8;
	v30 =	vbroadcast v14, $0x9;
	v7 =	vadd.f32 v7, v11;
	v9 =	vld [tilespmem:s10+$0x70]  }
0x228: {  	v10 =	vadd.f32 v12, v10;
	v31 =	vbroadcast v14, $0xA;
	v32 =	vbroadcast v14, $0xB;
	v11 =	vld [tilespmem:s10+$0x400]  }
0x229: {  	v33 =	vbroadcast v14, $0xC;
	v34 =	vbroadcast v14, $0xD;
	v6 =	vadd.f32 v6, v13;
	v12 =	vld [tilespmem:s10+$0x410]  }
0x22a: {  	v35 =	vbroadcast v14, $0xE;
	v14 =	vbroadcast v14, $0xF;
	v7 =	vadd.f32 v10, v7;
	v13 =	vld [tilespmem:s10+$0x420]  }
0x22b: {  	v10 =	vmax.f32 v26, $0.0e+00;
	v16 =	vmax.f32 v16, $0.0e+00;
	v15 =	vmax.f32 v15, $0.0e+00;
	v26 =	vld [tilespmem:s10+$0x430]  }
0x22c: {  	v20 =	vmax.f32 v20, $0.0e+00;
	v22 =	vmax.f32 v22, $0.0e+00;
	v23 =	vmax.f32 v23, $0.0e+00;
	v36 =	vld [tilespmem:s10+$0x440]  }
0x22d: {  	s23 =	sadd.s32 $0x2, s23;
	v25 =	vmax.f32 v25, $0.0e+00;
	v9 =	vmax.f32 v9, $0.0e+00;
	v11 =	vmax.f32 v11, $0.0e+00;
	v37 =	vld [tilespmem:s10+$0x450]  }
0x22e: {  	p0 =	slt.u32 s23, $0x7E;
	v8 =	vmul.f32 v10, v8;
	v10 =	vmul.f32 v16, v19;
	v12 =	vmax.f32 v12, $0.0e+00;
	v16 =	vld [tilespmem:s10+$0x460]  }
0x22f: {  	v15 =	vmul.f32 v15, v17;
	v17 =	vmul.f32 v20, v21;
	v13 =	vmax.f32 v13, $0.0e+00;
	v19 =	vld [tilespmem:s10+$0x470]  }
0x230: {  	v18 =	vmul.f32 v22, v18;
	v21 =	vmul.f32 v23, v24;
	v20 =	vld [tilespmem:s25+$0x0];
	v22 =	vmax.f32 v26, $0.0e+00  }
0x231: {  	v24 =	vmul.f32 v25, v27;
	v9 =	vmul.f32 v9, v28;
	v23 =	vld [tilespmem:s25+$0x10];
	v25 =	vmax.f32 v36, $0.0e+00  }
0x232: {  	v11 =	vmul.f32 v11, v29;
	v12 =	vmul.f32 v12, v30;
	v26 =	vld [tilespmem:s25+$0x20];
	v27 =	vmax.f32 v37, $0.0e+00  }
0x233: {  	v13 =	vmul.f32 v13, v31;
	v22 =	vmul.f32 v22, v32;
	v28 =	vld [tilespmem:s25+$0x30];
	v16 =	vmax.f32 v16, $0.0e+00  }
0x234: {  	v25 =	vmul.f32 v25, v33;
	v27 =	vmul.f32 v27, v34;
	v29 =	vld [tilespmem:s25+$0x40];
	v19 =	vmax.f32 v19, $0.0e+00  }
0x235: {  	v8 =	vadd.f32 v10, v8;
	v10 =	vadd.f32 v17, v15;
	v16 =	vmul.f32 v16, v35;
	v31 =	vld [tilespmem:s25+$0x50]  }
0x236: {  	v15 =	vadd.f32 v21, v18;
	v9 =	vadd.f32 v9, v24;
	v14 =	vmul.f32 v19, v14;
	v32 =	vld [tilespmem:s25+$0x60]  }
0x237: {  	v11 =	vadd.f32 v12, v11;
	v33 =	vbroadcast v5, $0x0;
	v12 =	vadd.f32 v22, v13;
	v21 =	vld [tilespmem:s25+$0x70]  }
0x238: {  	v35 =	vbroadcast v5, $0x1;
	v13 =	vadd.f32 v27, v25;
	v14 =	vadd.f32 v14, v16;
	v22 =	vld [tilespmem:s25+$0x400]  }
0x239: {  	v8 =	vadd.f32 v10, v8;
	v36 =	vbroadcast v5, $0x2;
	v10 =	vadd.f32 v9, v15;
	v24 =	vld [tilespmem:s25+$0x410]  }
0x23a: {  	v37 =	vbroadcast v5, $0x3;
	v11 =	vadd.f32 v12, v11;
	v12 =	vadd.f32 v14, v13;
	v25 =	vld [tilespmem:s25+$0x420]  }
0x23b: {  	v34 =	vmax.f32 v20, $0.0e+00;
	v13 =	vbroadcast v5, $0x4;
	v14 =	vbroadcast v5, $0x5;
	v20 =	vld [tilespmem:s25+$0x430]  }
0x23c: {  	v9 =	vbroadcast v5, $0x6;
	v10 =	vadd.f32 v10, v8;
	v12 =	vadd.f32 v12, v11;
	v38 =	vld [tilespmem:s25+$0x440]  }
0x23d: {  	v19 =	vbroadcast v5, $0x7;
	v23 =	vmax.f32 v23, $0.0e+00;
	v11 =	vbroadcast v5, $0x8;
	v39 =	vld [tilespmem:s25+$0x450]  }
0x23e: {  	v15 =	vbroadcast v5, $0x9;
	v8 =	vbroadcast v5, $0xA;
	v18 =	vadd.f32 v12, v10;
	v40 =	vld [tilespmem:s25+$0x460]  }
0x23f: {  	v41 =	vmax.f32 v26, $0.0e+00;
	v16 =	vbroadcast v5, $0xB;
	v10 =	vbroadcast v5, $0xC;
	v42 =	vld [tilespmem:s25+$0x470]  }
0x240: {  	v17 =	vbroadcast v5, $0xD;
	v43 =	vmax.f32 v28, $0.0e+00;
	v12 =	vbroadcast v5, $0xE;
	[tilespmem:s21+$0x0] =	vst v18  }
0x241: {  	v30 =	vmax.f32 v29, $0.0e+00;
	v31 =	vmax.f32 v31, $0.0e+00;
	v18 =	vbroadcast v5, $0xF  }
.Ltmp4:
0x242: {  	v28 =	vmax.f32 v32, $0.0e+00;
	v29 =	vmax.f32 v21, $0.0e+00;
	v26 =	vmax.f32 v22, $0.0e+00;
	(pc) =	sbr.rel @p0 .LBB2_11-.Ltmp4, $4  }
0x243: {  	v27 =	vmax.f32 v24, $0.0e+00;
	v24 =	vmax.f32 v25, $0.0e+00;
	v25 =	vmax.f32 v20, $0.0e+00  }
0x244: {  	v21 =	vmax.f32 v38, $0.0e+00;
	v22 =	vmax.f32 v39, $0.0e+00;
	v20 =	vmax.f32 v40, $0.0e+00  }
0x245: {  	v34 =	vmul.f32 v34, v33;
	v35 =	vmul.f32 v23, v35;
	v23 =	vmax.f32 v42, $0.0e+00  }
0x246: {  	s24 =	sadd.s32 $0x200, s24;
	v33 =	vmul.f32 v43, v37;
	v32 =	vmul.f32 v41, v36;
	v5 =	vadd.f32 v7, v6  }
0x247: {  	v6 =	vmul.f32 v30, v13  }
0x248: {  	v7 =	vmul.f32 v31, v14;
	v9 =	vmul.f32 v28, v9  }
0x249: {  	v57 =	vmul.f32 v29, v19;
	v11 =	vmul.f32 v26, v11  }
0x24a: {  	v15 =	vmul.f32 v27, v15;
	v8 =	vmul.f32 v24, v8  }
0x24b: {  	v58 =	vadd.f32 v35, v34;
	v16 =	vmul.f32 v25, v16;
	v60 =	vmul.f32 v22, v17  }
0x24c: {  	v12 =	vmul.f32 v20, v12;
	v61 =	vmul.f32 v23, v18;
	v59 =	vadd.f32 v33, v32  }
0x24d: {  	v6 =	vadd.f32 v7, v6;
	v7 =	vmul.f32 v21, v10;
	v9 =	vadd.f32 v57, v9  }
0x24e: {  	v11 =	vadd.f32 v15, v11;
	v8 =	vadd.f32 v16, v8  }
0x24f: {  	v62 =	vadd.f32 v61, v12;
	v7 =	vadd.f32 v60, v7  }
0x250: {  	v63 =	vadd.f32 v59, v58;
	v6 =	vadd.f32 v9, v6  }
0x251: {  	s18 =	sadd.s32 $0x1, s18;
	v8 =	vadd.f32 v8, v11;
	v7 =	vadd.f32 v62, v7  }
0x252: {  	p0 =	sne.s32 s18, $0xA  }
.Ltmp5:
0x253: {  	v6 =	vadd.f32 v6, v63;
	v7 =	vadd.f32 v7, v8;
	(pc) =	sbr.rel @p0 .LBB2_6-.Ltmp5, $4  }
0x254: {  	_ = 	snop  }
0x255: {  	v6 =	vadd.f32 v7, v6  }
0x256: {  	[tilespmem:s19+$0xFFFFFFF0] =	vst v5  }
0x257: {  	[tilespmem:s22+$0xFFFFFFF0] =	vst v6  }
0x258: {  	s18 =	simm.s32 $0x10C10  }
0x259: {  	v5 =	vld [tilespmem:s18+$0xFFFFFFF0];
	_ =	sdelay $0x1  }
0x25a: {  	v6 =	vld [tilespmem:s18+$0x0];
	_ =	sdelay $0x1  }
0x25b: {  	v4 =	vmax.f32 v4, $0.0e+00  }
0x25c: {  	s19 =	simm.s32 $0x10C30;
	v8 =	vmul.f32 v5, v4  }
0x25d: {  	v5 =	vld [tilespmem:s19+$0xFFFFFFF0]  }
0x25e: {  	s10 =	simm.s32 $0x0;
	s20 =	simm.s32 $0x2;
	v7 =	vmul.f32 v6, v4;
	v6 =	vld [tilespmem:s19+$0x0];
	[tilespmem:s18+$0xFFFFFFF0] =	vst v8  }
.LBB2_14:
0x25f: {  	s20 =	sadd.s32 $0x2, s20  }
0x260: {  	[tilespmem:s18+$0x0] =	vst v7;
	s17 =	simm.s32 $0x11410;
	s18 =	smov.u32 s19;
	p0 =	slt.u32 s20, $0x7E  }
.Ltmp6:
0x261: {  	(pc) =	sbr.rel @p0 .LBB2_14-.Ltmp6, $4  }
0x262: {  	_ = 	snop  }
0x263: {  	s19 =	sadd.s32 $0x20, s19;
	v8 =	vmul.f32 v5, v4  }
0x264: {  	v5 =	vld [tilespmem:s19+$0xFFFFFFF0];
	v7 =	vmul.f32 v6, v4  }
0x265: {  	v6 =	vld [tilespmem:s19+$0x0];
	[tilespmem:s18+$0xFFFFFFF0] =	vst v8  }
0x266: {  	_ =	sdelay $0x2  }
0x267: {  	v5 =	vmul.f32 v5, v4  }
0x268: {  	[tilespmem:s18+$0x0] =	vst v7;
	v4 =	vmul.f32 v6, v4  }
0x269: {  	[tilespmem:s19+$0xFFFFFFF0] =	vst v5  }
0x26a: {  	[tilespmem:s19+$0x0] =	vst v4  }
0x26b: {  	[tilespmem:s17+$0xFFFFFFF0] =	vst v3  }
.LBB2_16:
0x26c: {  	s10 =	sadd.s32 $0x2, s10  }
0x26d: {  	p0 =	slt.u32 s10, $0x6  }
.Ltmp7:
0x26e: {  	_ = 	snop;
	(pc) =	sbr.rel @p0 .LBB2_16-.Ltmp7, $3  }
0x26f: {  	_ =	sdelay $0x1  }
0x270: {  	[tilespmem:s17+$0x0] =	vst v3;
	s17 =	sadd.s32 $0x20, s17  }
0x271: {  	[tilespmem:s17+$0xFFFFFFF0] =	vst v3  }
0x272: {  	[tilespmem:s17+$0x0] =	vst v3  }
0x273: {  	s10 =	simm.s32 $0x11400;
	s19 =	simm.s32 $0x3;
	s17 =	rddreg [dreg:$0x8]  }
0x274: {  	[spmem:s17] =	stream.linear.scatter [tilespmem:s10], [sflag:$0x3], $0x80, $0x38;
	[tilespmem:$0x11E00] =	vst v63  }
0x275: {  	_ =	swait.ge [sflag:s19], $0x80  }
0x276: {  	s23 =	simm.s32 $0x800;
	s18 =	simm.s32 $0x11580;
	[sflag:s19] =	ssyncset.done $0x0  }
0x277: {  	s20 =	simm.s32 $0x10C00;
	s24 =	stileid.u32;
	[sflag:s19] =	ssyncadd.s32 $0xFFFFFF80  }
0x278: {  	[spmem:s17] =	stream.indirect.scatter.add.f32 [tilespmem:s20], [sflag:$0x3], $0x1, s18, s23, $0xb8;
	[tilespmem:$0x11E00] =	vst v63  }
0x279: {  	s10 =	sshll.u32 s24, $0x6;
	_ =	swait.ge [sflag:s19], $0x800  }
0x27a: {  	s10 =	sor.u32 $0x1C03, s10;
	[sflag:s19] =	ssyncset.done $0x0  }
0x27b: {  	s17 =	sshrl.u32 s17, $0x3;
	s25 =	rddreg [dreg:$0x9];
	[sflag:s19] =	ssyncadd.s32 $0xFFFFF800  }
0x27c: {  	[hbm:s25], [sflag:s10] =	dma.local [spmem:s17], $0x10  }
0x27d: {  	_ =	swait.ge [sflag:s19], $0x10  }
0x27e: {  	s26 =	rddreg [dreg:$0xb]  }
0x27f: {  	s31 =	rddreg [dreg:$0xa];
	s17 =	sadd.s32 $0x1, s26  }
0x280: {  	p0 =	sne.s32 s17, s31  }
.Ltmp8:
0x281: {  	_ = 	snop;
	(pc) =	sbr.rel @p0 .LBB2_1-.Ltmp8, $3  }
0x282: {  	_ =	sdelay $0x1  }
0x283: {  	[sflag:s19] =	ssyncset.done $0x0  }
0x284: {  	[sflag:s19] =	ssyncadd.s32 $0xFFFFFFF0  }
0x285: {  	_ =	sfence.sel $0x180000  }
0x286: {  	[bflag:$0x0] =	sbarrier.arrive $0xFFFF  }
0x287: {  	_ =	strace $0x90000047  }
0x288: {  	s0 =	stileid.u32;
	[bflag:$0x2] =	sbarrier.arrive $0xFFFF  }
0x289: {  	p0 =	sne.s32 s0, $0x0;
	s0 =	rddreg [dreg:$0x6]  }
0x28a: {  	s0 =	sadd.s32 @!p0 $0x100000, s0  }
0x28b: {  	[sflag:s0] =	ssyncadd.tile.s32 @!p0 $0x1;
	_ =	shalt  }
.Lfunc_end2:
_tile_overlayer_lowered:
.L_overlay_start_2:
0x28c: {  	(tag) =	ssettag $0x2  }
0x28d: {  	s0 =	rddreg [dreg:$0x0];
	s2 =	stileid.u32  }
0x28e: {  	s1 =	rddreg [dreg:$0x1];
	p0 =	sne.s32 s2, $0x0  }
0x28f: {  	s3 =	rddreg [dreg:$0x2];
	[bflag:$0x3] =	sbarrier.arrive $0xFFFF;
	s2 =	simm.s32 @!p0 $0x1C03  }
0x290: {  	[timem:s3], [sflag:s2] =	dma.local @!p0 [hbm:s0], s1  }
0x291: {  	s0 =	simm.s32 @!p0 $0x3  }
0x292: {  	_ =	swait.ge @!p0 [sflag:s0], s1  }
0x293: {  	s1 =	ssub.s32 @!p0 $0x0, s1;
	[sflag:s0] =	ssyncset.done @!p0 $0x0  }
0x294: {  	[sflag:s0] =	ssyncadd.s32 @!p0 s1  }
0x295: {  	[bflag:$0x3] =	sbarrier.arrive $0xFFFF  }
0x296: {  	_ =	shalt  }

</sc_bundles>
